<compile_context>
chip_gen: v7x
topology: tpu7x:2x2x1
jax: 0.10.2.dev20260603
libtpu: 0.0.44.dev20260713+nightly
codegen_flags: <defaults>
</compile_context>

<pallas_src>
import jax
import jax.numpy as jnp
from jax import lax
from jax.experimental import pallas as pl
from jax.experimental.pallas import tpu as pltpu, tpu_sc as plsc

D = 64
DW = 128
NC, NS = 2, 16
NW = NC * NS
NX = 4

_MESH = plsc.VectorSubcoreMesh(
    core_axis_name="c", subcore_axis_name="s", num_cores=NC, num_subcores=NS
)
_PARAMS = pltpu.CompilerParams(use_tc_tiling_on_sc=True)


def _gather(batch: int, hist: int, vocab: int):
    xr = batch // NW
    nsuper = xr // NX
    hp = (hist + 7) // 8 * 8

    def body(x_hbm, wide_hbm, out_hbm, idx_v, buf_a, buf_b, gsem, wsem):
        wid = lax.axis_index("c") * NS + lax.axis_index("s")
        base = pl.multiple_of(wid * xr, 8)
        pltpu.sync_copy(x_hbm.at[pl.ds(base, xr)], idx_v)
        bufs = (buf_a, buf_b)

        def fire(g, buf):
            for k in range(NX):
                pltpu.async_copy(
                    wide_hbm.at[idx_v.at[g * NX + k]],
                    buf.at[k, pl.ds(0, hist)],
                    gsem,
                )

        def drain(buf):
            for k in range(NX):
                pltpu.make_async_copy(
                    wide_hbm.at[idx_v.at[k]],
                    buf.at[k, pl.ds(0, hist)],
                    gsem,
                ).wait()

        def write(g, buf):
            for k in range(NX):
                pltpu.async_copy(
                    buf.at[k], out_hbm.at[base + g * NX + k], wsem
                )

        def wait_write(g, buf):
            for k in range(NX):
                pltpu.make_async_copy(
                    buf.at[k], out_hbm.at[base + g * NX + k], wsem
                ).wait()

        fire(0, buf_a)

        def step(i, carry):
            for b in range(2):
                g = i * 2 + b
                nxt = bufs[1 - b]

                @pl.when(g >= 1)
                def _():
                    wait_write(g - 1, nxt)

                @pl.when(g + 1 < nsuper)
                def _():
                    fire(g + 1, nxt)

                drain(bufs[b])
                write(g, bufs[b])
            return carry

        lax.fori_loop(0, nsuper // 2, step, 0)
        wait_write(nsuper - 1, buf_b)

    return pl.kernel(
        body,
        out_type=jax.ShapeDtypeStruct((batch, hp, DW), jnp.float32),
        mesh=_MESH,
        scratch_types=[
            pltpu.VMEM((xr, hist), jnp.int32),
            pltpu.VMEM((NX, hp, DW), jnp.float32),
            pltpu.VMEM((NX, hp, DW), jnp.float32),
            pltpu.SemaphoreType.DMA,
            pltpu.SemaphoreType.DMA,
        ],
        compiler_params=_PARAMS,
    )


def kernel(x, table):
    b, h = x.shape
    v = table.shape[0]
    wide = jnp.pad(table, ((0, 0), (0, DW - D)))
    padded = _gather(b, h, v)(x, wide)
    return padded[:, :h, :D]

# --- scband reference (transcript-rebuilt; emitter-appended) ---
"""Pipeline reference for scband-embedder-10960756539742 (READ-ONLY COPY).

The authoritative reference and input builder live on the scoring server;
editing this copy changes nothing except your own understanding.
"""

import jax, jax.numpy as jnp
import numpy as np

VOCAB = 1000000
D_MODEL = 64
BATCH = 16384
HIST = 50

def setup_inputs(seed: int = 0) -> dict:
    key = jax.random.key(seed)
    k_idx, k_tab = jax.random.split(key)
    x = jax.random.randint(k_idx, (BATCH, HIST), 0, VOCAB, dtype=jnp.int64 if jax.config.jax_enable_x64 else jnp.int32).astype(jnp.int32)
    # nn.Embedding default init: N(0, 1)
    table = jax.random.normal(k_tab, (VOCAB, D_MODEL), dtype=jnp.float32)
    return {"x": x, "table": table}

def reference(x, table):
    # Embedder.forward: self.embed(x) -> gather rows of the embedding table
    return jnp.take(table, x, axis=0)

if __name__ == "__main__":
    import jax
    _d = setup_inputs()
    print(jax.jit(kernel)(*tuple(_d.values())))

</pallas_src>

<mosaic_0001>
#map = affine_map<(d0, d1) -> (0, 0)>
#map1 = affine_map<(d0, d1) -> (0, 0, 0)>
module attributes {stable_mosaic.version = 14 : i64} {
  func.func @body(%arg0: i32, %arg1: i32, %arg2: memref<16384x50xi32, #tpu.memory_space<hbm>>, %arg3: memref<1000000x128xf32, #tpu.memory_space<hbm>>, %arg4: memref<16384x56x128xf32, #tpu.memory_space<hbm>>, %arg5: memref<512x50xi32, #tpu.memory_space<vmem>>, %arg6: memref<4x56x128xf32, #tpu.memory_space<vmem>>, %arg7: memref<4x56x128xf32, #tpu.memory_space<vmem>>, %arg8: memref<!tpu.dma_semaphore, #tpu.memory_space<semaphore_mem>>, %arg9: memref<!tpu.dma_semaphore, #tpu.memory_space<semaphore_mem>>) attributes {dimension_semantics = [#tpu.dimension_semantics<core_parallel>, #tpu.dimension_semantics<subcore_parallel>], iteration_bounds = array<i64: 2, 16>, scalar_prefetch = 0 : i64, scratch_operands = 5 : i64, tpu.core_type = #tpu.core_type<sc_vector_subcore>, window_params = [{transform_indices = #map}, {transform_indices = #map}, {transform_indices = #map1}]} {
    %mul3A = arith.constant 16 : i32
    %mul3A_0 = arith.muli %arg0, %mul3A : i32
    %add3A = arith.addi %mul3A_0, %arg1 : i32
    %mul3A_1 = arith.constant 512 : i32
    %mul3A_2 = arith.muli %add3A, %mul3A_1 : i32
    %multiple_of3A = tpu.assume_multiple %mul3A_2, 8 : i32
    "tpu.region"() ({
      %run_scoped3A = tpu.sem_alloc : memref<!tpu.dma_semaphore, #tpu.memory_space<semaphore_mem>>
      %dma_start3A_138 = arith.constant 0 : i32
      %dma_start3A_139 = tpu.memref_slice %arg2[%multiple_of3A, %dma_start3A_138] : memref<16384x50xi32, #tpu.memory_space<hbm>> -> memref<512x50xi32, #tpu.memory_space<hbm>>
      %dma_start3A_140 = arith.constant 0 : i32
      %dma_start3A_141 = tpu.memref_slice %arg2[%multiple_of3A, %dma_start3A_140] : memref<16384x50xi32, #tpu.memory_space<hbm>> -> memref<512x50xi32, #tpu.memory_space<hbm>>
      tpu.enqueue_dma source(%dma_start3A_141 : memref<512x50xi32, #tpu.memory_space<hbm>>) target(%arg5 : memref<512x50xi32, #tpu.memory_space<vmem>>) target_semaphore(%run_scoped3A : memref<!tpu.dma_semaphore, #tpu.memory_space<semaphore_mem>>)
      %dma_wait3A_142 = arith.constant 0 : i32
      %dma_wait3A_143 = tpu.memref_slice %arg2[%multiple_of3A, %dma_wait3A_142] : memref<16384x50xi32, #tpu.memory_space<hbm>> -> memref<512x50xi32, #tpu.memory_space<hbm>>
      %dma_wait3A_144 = arith.constant 0 : i32
      %dma_wait3A_145 = tpu.memref_slice %arg2[%multiple_of3A, %dma_wait3A_144] : memref<16384x50xi32, #tpu.memory_space<hbm>> -> memref<512x50xi32, #tpu.memory_space<hbm>>
      tpu.wait_dma2 semaphore(%run_scoped3A : memref<!tpu.dma_semaphore, #tpu.memory_space<semaphore_mem>>) src(%dma_wait3A_145 : memref<512x50xi32, #tpu.memory_space<hbm>>) dst(%arg5 : memref<512x50xi32, #tpu.memory_space<vmem>>)
      tpu.yield
    }) : () -> ()
    %dma_start3A = arith.constant 0 : i32
    %dma_start3A_3 = arith.constant 0 : i32
    %dma_start3A_4 = arith.constant 0 : i32
    %dma_start3A_5 = arith.constant 0 : i32
    %dma_start3A_6 = tpu.memref_slice %arg6[%dma_start3A_3, %dma_start3A_4, %dma_start3A_5] : memref<4x56x128xf32, #tpu.memory_space<vmem>> -> memref<1x50x128xf32, #tpu.memory_space<vmem>>
    %dma_start3A_7 = tpu.memref_squeeze %dma_start3A_6 : memref<1x50x128xf32, #tpu.memory_space<vmem>> -> memref<50x128xf32, #tpu.memory_space<vmem>>
    %dma_start3A_8 = arith.constant 0 : i32
    %dma_start3A_9 = tpu.memref_slice %arg5[%dma_start3A, %dma_start3A_8] : memref<512x50xi32, #tpu.memory_space<vmem>> -> memref<1x50xi32, #tpu.memory_space<vmem>>
    %dma_start3A_10 = tpu.memref_squeeze %dma_start3A_9 : memref<1x50xi32, #tpu.memory_space<vmem>> -> memref<50xi32, #tpu.memory_space<vmem>>
    %dma_start3A_11 = arith.constant 0 : i32
    %dma_start3A_12 = arith.constant 0 : i32
    %dma_start3A_13 = tpu.memref_slice %arg3[%dma_start3A_11, %dma_start3A_12] : memref<1000000x128xf32, #tpu.memory_space<hbm>> -> memref<1000000x128xf32, #tpu.memory_space<hbm>>
    tpu.enqueue_indirect_dma source(%dma_start3A_13 : memref<1000000x128xf32, #tpu.memory_space<hbm>>) target(%dma_start3A_7 : memref<50x128xf32, #tpu.memory_space<vmem>>) offsets(%dma_start3A_10 : memref<50xi32, #tpu.memory_space<vmem>>) semaphore(%arg8 : memref<!tpu.dma_semaphore, #tpu.memory_space<semaphore_mem>>)
    %dma_start3A_14 = arith.constant 1 : i32
    %dma_start3A_15 = arith.constant 1 : i32
    %dma_start3A_16 = arith.constant 0 : i32
    %dma_start3A_17 = arith.constant 0 : i32
    %dma_start3A_18 = tpu.memref_slice %arg6[%dma_start3A_15, %dma_start3A_16, %dma_start3A_17] : memref<4x56x128xf32, #tpu.memory_space<vmem>> -> memref<1x50x128xf32, #tpu.memory_space<vmem>>
    %dma_start3A_19 = tpu.memref_squeeze %dma_start3A_18 : memref<1x50x128xf32, #tpu.memory_space<vmem>> -> memref<50x128xf32, #tpu.memory_space<vmem>>
    %dma_start3A_20 = arith.constant 0 : i32
    %dma_start3A_21 = tpu.memref_slice %arg5[%dma_start3A_14, %dma_start3A_20] : memref<512x50xi32, #tpu.memory_space<vmem>> -> memref<1x50xi32, #tpu.memory_space<vmem>>
    %dma_start3A_22 = tpu.memref_squeeze %dma_start3A_21 : memref<1x50xi32, #tpu.memory_space<vmem>> -> memref<50xi32, #tpu.memory_space<vmem>>
    %dma_start3A_23 = arith.constant 0 : i32
    %dma_start3A_24 = arith.constant 0 : i32
    %dma_start3A_25 = tpu.memref_slice %arg3[%dma_start3A_23, %dma_start3A_24] : memref<1000000x128xf32, #tpu.memory_space<hbm>> -> memref<1000000x128xf32, #tpu.memory_space<hbm>>
    tpu.enqueue_indirect_dma source(%dma_start3A_25 : memref<1000000x128xf32, #tpu.memory_space<hbm>>) target(%dma_start3A_19 : memref<50x128xf32, #tpu.memory_space<vmem>>) offsets(%dma_start3A_22 : memref<50xi32, #tpu.memory_space<vmem>>) semaphore(%arg8 : memref<!tpu.dma_semaphore, #tpu.memory_space<semaphore_mem>>)
    %dma_start3A_26 = arith.constant 2 : i32
    %dma_start3A_27 = arith.constant 2 : i32
    %dma_start3A_28 = arith.constant 0 : i32
    %dma_start3A_29 = arith.constant 0 : i32
    %dma_start3A_30 = tpu.memref_slice %arg6[%dma_start3A_27, %dma_start3A_28, %dma_start3A_29] : memref<4x56x128xf32, #tpu.memory_space<vmem>> -> memref<1x50x128xf32, #tpu.memory_space<vmem>>
    %dma_start3A_31 = tpu.memref_squeeze %dma_start3A_30 : memref<1x50x128xf32, #tpu.memory_space<vmem>> -> memref<50x128xf32, #tpu.memory_space<vmem>>
    %dma_start3A_32 = arith.constant 0 : i32
    %dma_start3A_33 = tpu.memref_slice %arg5[%dma_start3A_26, %dma_start3A_32] : memref<512x50xi32, #tpu.memory_space<vmem>> -> memref<1x50xi32, #tpu.memory_space<vmem>>
    %dma_start3A_34 = tpu.memref_squeeze %dma_start3A_33 : memref<1x50xi32, #tpu.memory_space<vmem>> -> memref<50xi32, #tpu.memory_space<vmem>>
    %dma_start3A_35 = arith.constant 0 : i32
    %dma_start3A_36 = arith.constant 0 : i32
    %dma_start3A_37 = tpu.memref_slice %arg3[%dma_start3A_35, %dma_start3A_36] : memref<1000000x128xf32, #tpu.memory_space<hbm>> -> memref<1000000x128xf32, #tpu.memory_space<hbm>>
    tpu.enqueue_indirect_dma source(%dma_start3A_37 : memref<1000000x128xf32, #tpu.memory_space<hbm>>) target(%dma_start3A_31 : memref<50x128xf32, #tpu.memory_space<vmem>>) offsets(%dma_start3A_34 : memref<50xi32, #tpu.memory_space<vmem>>) semaphore(%arg8 : memref<!tpu.dma_semaphore, #tpu.memory_space<semaphore_mem>>)
    %dma_start3A_38 = arith.constant 3 : i32
    %dma_start3A_39 = arith.constant 3 : i32
    %dma_start3A_40 = arith.constant 0 : i32
    %dma_start3A_41 = arith.constant 0 : i32
    %dma_start3A_42 = tpu.memref_slice %arg6[%dma_start3A_39, %dma_start3A_40, %dma_start3A_41] : memref<4x56x128xf32, #tpu.memory_space<vmem>> -> memref<1x50x128xf32, #tpu.memory_space<vmem>>
    %dma_start3A_43 = tpu.memref_squeeze %dma_start3A_42 : memref<1x50x128xf32, #tpu.memory_space<vmem>> -> memref<50x128xf32, #tpu.memory_space<vmem>>
    %dma_start3A_44 = arith.constant 0 : i32
    %dma_start3A_45 = tpu.memref_slice %arg5[%dma_start3A_38, %dma_start3A_44] : memref<512x50xi32, #tpu.memory_space<vmem>> -> memref<1x50xi32, #tpu.memory_space<vmem>>
    %dma_start3A_46 = tpu.memref_squeeze %dma_start3A_45 : memref<1x50xi32, #tpu.memory_space<vmem>> -> memref<50xi32, #tpu.memory_space<vmem>>
    %dma_start3A_47 = arith.constant 0 : i32
    %dma_start3A_48 = arith.constant 0 : i32
    %dma_start3A_49 = tpu.memref_slice %arg3[%dma_start3A_47, %dma_start3A_48] : memref<1000000x128xf32, #tpu.memory_space<hbm>> -> memref<1000000x128xf32, #tpu.memory_space<hbm>>
    tpu.enqueue_indirect_dma source(%dma_start3A_49 : memref<1000000x128xf32, #tpu.memory_space<hbm>>) target(%dma_start3A_43 : memref<50x128xf32, #tpu.memory_space<vmem>>) offsets(%dma_start3A_46 : memref<50xi32, #tpu.memory_space<vmem>>) semaphore(%arg8 : memref<!tpu.dma_semaphore, #tpu.memory_space<semaphore_mem>>)
    %scan3A = arith.constant 0 : i32
    %scan3A_50 = arith.constant 0 : i32
    %scan3A_51 = arith.constant 64 : i32
    %scan3A_52 = arith.addi %scan3A_50, %scan3A_51 : i32
    %scan3A_53 = arith.constant 1 : i32
    scf.for %scan3A_138 = %scan3A_50 to %scan3A_52 step %scan3A_53  : i32 {
      %mul3A_139 = arith.constant 2 : i32
      %mul3A_140 = arith.muli %scan3A_138, %mul3A_139 : i32
      %add3A_141 = arith.constant 0 : i32
      %add3A_142 = arith.addi %mul3A_140, %add3A_141 : i32
      %ge3A = arith.constant 1 : i32
      %ge3A_143 = arith.cmpi sge, %add3A_142, %ge3A : i32
      %convert_element_type3A = arith.extui %ge3A_143 : i1 to i32
      %cond3A = arith.constant 0 : i32
      %cond3A_144 = arith.cmpi ne, %convert_element_type3A, %cond3A : i32
      scf.if %cond3A_144 {
        %sub3A = arith.constant 1 : i32
        %sub3A_439 = arith.subi %add3A_142, %sub3A : i32
        %mul3A_440 = arith.constant 4 : i32
        %mul3A_441 = arith.muli %sub3A_439, %mul3A_440 : i32
        %add3A_442 = arith.addi %multiple_of3A, %mul3A_441 : i32
        %add3A_443 = arith.constant 0 : i32
        %add3A_444 = arith.addi %add3A_442, %add3A_443 : i32
        %dma_wait3A_445 = arith.constant 0 : i32
        %dma_wait3A_446 = arith.constant 0 : i32
        %dma_wait3A_447 = arith.constant 0 : i32
        %dma_wait3A_448 = tpu.memref_slice %arg7[%dma_wait3A_445, %dma_wait3A_446, %dma_wait3A_447] : memref<4x56x128xf32, #tpu.memory_space<vmem>> -> memref<1x56x128xf32, #tpu.memory_space<vmem>>
        %dma_wait3A_449 = tpu.memref_squeeze %dma_wait3A_448 : memref<1x56x128xf32, #tpu.memory_space<vmem>> -> memref<56x128xf32, #tpu.memory_space<vmem>>
        %dma_wait3A_450 = arith.constant 0 : i32
        %dma_wait3A_451 = arith.constant 0 : i32
        %dma_wait3A_452 = tpu.memref_slice %arg4[%add3A_444, %dma_wait3A_450, %dma_wait3A_451] : memref<16384x56x128xf32, #tpu.memory_space<hbm>> -> memref<1x56x128xf32, #tpu.memory_space<hbm>>
        %dma_wait3A_453 = tpu.memref_squeeze %dma_wait3A_452 : memref<1x56x128xf32, #tpu.memory_space<hbm>> -> memref<56x128xf32, #tpu.memory_space<hbm>>
        %dma_wait3A_454 = arith.constant 0 : i32
        %dma_wait3A_455 = arith.constant 0 : i32
        %dma_wait3A_456 = tpu.memref_slice %arg4[%add3A_444, %dma_wait3A_454, %dma_wait3A_455] : memref<16384x56x128xf32, #tpu.memory_space<hbm>> -> memref<1x56x128xf32, #tpu.memory_space<hbm>>
        %dma_wait3A_457 = tpu.memref_squeeze %dma_wait3A_456 : memref<1x56x128xf32, #tpu.memory_space<hbm>> -> memref<56x128xf32, #tpu.memory_space<hbm>>
        %dma_wait3A_458 = arith.constant 0 : i32
        %dma_wait3A_459 = arith.constant 0 : i32
        %dma_wait3A_460 = tpu.memref_slice %arg7[%dma_wait3A_445, %dma_wait3A_458, %dma_wait3A_459] : memref<4x56x128xf32, #tpu.memory_space<vmem>> -> memref<1x56x128xf32, #tpu.memory_space<vmem>>
        %dma_wait3A_461 = tpu.memref_squeeze %dma_wait3A_460 : memref<1x56x128xf32, #tpu.memory_space<vmem>> -> memref<56x128xf32, #tpu.memory_space<vmem>>
        tpu.wait_dma2 semaphore(%arg9 : memref<!tpu.dma_semaphore, #tpu.memory_space<semaphore_mem>>) src(%dma_wait3A_461 : memref<56x128xf32, #tpu.memory_space<vmem>>) dst(%dma_wait3A_457 : memref<56x128xf32, #tpu.memory_space<hbm>>)
        %mul3A_462 = arith.constant 4 : i32
        %mul3A_463 = arith.muli %sub3A_439, %mul3A_462 : i32
        %add3A_464 = arith.addi %multiple_of3A, %mul3A_463 : i32
        %add3A_465 = arith.constant 1 : i32
        %add3A_466 = arith.addi %add3A_464, %add3A_465 : i32
        %dma_wait3A_467 = arith.constant 1 : i32
        %dma_wait3A_468 = arith.constant 0 : i32
        %dma_wait3A_469 = arith.constant 0 : i32
        %dma_wait3A_470 = tpu.memref_slice %arg7[%dma_wait3A_467, %dma_wait3A_468, %dma_wait3A_469] : memref<4x56x128xf32, #tpu.memory_space<vmem>> -> memref<1x56x128xf32, #tpu.memory_space<vmem>>
        %dma_wait3A_471 = tpu.memref_squeeze %dma_wait3A_470 : memref<1x56x128xf32, #tpu.memory_space<vmem>> -> memref<56x128xf32, #tpu.memory_space<vmem>>
        %dma_wait3A_472 = arith.constant 0 : i32
        %dma_wait3A_473 = arith.constant 0 : i32
        %dma_wait3A_474 = tpu.memref_slice %arg4[%add3A_466, %dma_wait3A_472, %dma_wait3A_473] : memref<16384x56x128xf32, #tpu.memory_space<hbm>> -> memref<1x56x128xf32, #tpu.memory_space<hbm>>
        %dma_wait3A_475 = tpu.memref_squeeze %dma_wait3A_474 : memref<1x56x128xf32, #tpu.memory_space<hbm>> -> memref<56x128xf32, #tpu.memory_space<hbm>>
        %dma_wait3A_476 = arith.constant 0 : i32
        %dma_wait3A_477 = arith.constant 0 : i32
        %dma_wait3A_478 = tpu.memref_slice %arg4[%add3A_466, %dma_wait3A_476, %dma_wait3A_477] : memref<16384x56x128xf32, #tpu.memory_space<hbm>> -> memref<1x56x128xf32, #tpu.memory_space<hbm>>
        %dma_wait3A_479 = tpu.memref_squeeze %dma_wait3A_478 : memref<1x56x128xf32, #tpu.memory_space<hbm>> -> memref<56x128xf32, #tpu.memory_space<hbm>>
        %dma_wait3A_480 = arith.constant 0 : i32
        %dma_wait3A_481 = arith.constant 0 : i32
        %dma_wait3A_482 = tpu.memref_slice %arg7[%dma_wait3A_467, %dma_wait3A_480, %dma_wait3A_481] : memref<4x56x128xf32, #tpu.memory_space<vmem>> -> memref<1x56x128xf32, #tpu.memory_space<vmem>>
        %dma_wait3A_483 = tpu.memref_squeeze %dma_wait3A_482 : memref<1x56x128xf32, #tpu.memory_space<vmem>> -> memref<56x128xf32, #tpu.memory_space<vmem>>
        tpu.wait_dma2 semaphore(%arg9 : memref<!tpu.dma_semaphore, #tpu.memory_space<semaphore_mem>>) src(%dma_wait3A_483 : memref<56x128xf32, #tpu.memory_space<vmem>>) dst(%dma_wait3A_479 : memref<56x128xf32, #tpu.memory_space<hbm>>)
        %mul3A_484 = arith.constant 4 : i32
        %mul3A_485 = arith.muli %sub3A_439, %mul3A_484 : i32
        %add3A_486 = arith.addi %multiple_of3A, %mul3A_485 : i32
        %add3A_487 = arith.constant 2 : i32
        %add3A_488 = arith.addi %add3A_486, %add3A_487 : i32
        %dma_wait3A_489 = arith.constant 2 : i32
        %dma_wait3A_490 = arith.constant 0 : i32
        %dma_wait3A_491 = arith.constant 0 : i32
        %dma_wait3A_492 = tpu.memref_slice %arg7[%dma_wait3A_489, %dma_wait3A_490, %dma_wait3A_491] : memref<4x56x128xf32, #tpu.memory_space<vmem>> -> memref<1x56x128xf32, #tpu.memory_space<vmem>>
        %dma_wait3A_493 = tpu.memref_squeeze %dma_wait3A_492 : memref<1x56x128xf32, #tpu.memory_space<vmem>> -> memref<56x128xf32, #tpu.memory_space<vmem>>
        %dma_wait3A_494 = arith.constant 0 : i32
        %dma_wait3A_495 = arith.constant 0 : i32
        %dma_wait3A_496 = tpu.memref_slice %arg4[%add3A_488, %dma_wait3A_494, %dma_wait3A_495] : memref<16384x56x128xf32, #tpu.memory_space<hbm>> -> memref<1x56x128xf32, #tpu.memory_space<hbm>>
        %dma_wait3A_497 = tpu.memref_squeeze %dma_wait3A_496 : memref<1x56x128xf32, #tpu.memory_space<hbm>> -> memref<56x128xf32, #tpu.memory_space<hbm>>
        %dma_wait3A_498 = arith.constant 0 : i32
        %dma_wait3A_499 = arith.constant 0 : i32
        %dma_wait3A_500 = tpu.memref_slice %arg4[%add3A_488, %dma_wait3A_498, %dma_wait3A_499] : memref<16384x56x128xf32, #tpu.memory_space<hbm>> -> memref<1x56x128xf32, #tpu.memory_space<hbm>>
        %dma_wait3A_501 = tpu.memref_squeeze %dma_wait3A_500 : memref<1x56x128xf32, #tpu.memory_space<hbm>> -> memref<56x128xf32, #tpu.memory_space<hbm>>
        %dma_wait3A_502 = arith.constant 0 : i32
        %dma_wait3A_503 = arith.constant 0 : i32
        %dma_wait3A_504 = tpu.memref_slice %arg7[%dma_wait3A_489, %dma_wait3A_502, %dma_wait3A_503] : memref<4x56x128xf32, #tpu.memory_space<vmem>> -> memref<1x56x128xf32, #tpu.memory_space<vmem>>
        %dma_wait3A_505 = tpu.memref_squeeze %dma_wait3A_504 : memref<1x56x128xf32, #tpu.memory_space<vmem>> -> memref<56x128xf32, #tpu.memory_space<vmem>>
        tpu.wait_dma2 semaphore(%arg9 : memref<!tpu.dma_semaphore, #tpu.memory_space<semaphore_mem>>) src(%dma_wait3A_505 : memref<56x128xf32, #tpu.memory_space<vmem>>) dst(%dma_wait3A_501 : memref<56x128xf32, #tpu.memory_space<hbm>>)
        %mul3A_506 = arith.constant 4 : i32
        %mul3A_507 = arith.muli %sub3A_439, %mul3A_506 : i32
        %add3A_508 = arith.addi %multiple_of3A, %mul3A_507 : i32
        %add3A_509 = arith.constant 3 : i32
        %add3A_510 = arith.addi %add3A_508, %add3A_509 : i32
        %dma_wait3A_511 = arith.constant 3 : i32
        %dma_wait3A_512 = arith.constant 0 : i32
        %dma_wait3A_513 = arith.constant 0 : i32
        %dma_wait3A_514 = tpu.memref_slice %arg7[%dma_wait3A_511, %dma_wait3A_512, %dma_wait3A_513] : memref<4x56x128xf32, #tpu.memory_space<vmem>> -> memref<1x56x128xf32, #tpu.memory_space<vmem>>
        %dma_wait3A_515 = tpu.memref_squeeze %dma_wait3A_514 : memref<1x56x128xf32, #tpu.memory_space<vmem>> -> memref<56x128xf32, #tpu.memory_space<vmem>>
        %dma_wait3A_516 = arith.constant 0 : i32
        %dma_wait3A_517 = arith.constant 0 : i32
        %dma_wait3A_518 = tpu.memref_slice %arg4[%add3A_510, %dma_wait3A_516, %dma_wait3A_517] : memref<16384x56x128xf32, #tpu.memory_space<hbm>> -> memref<1x56x128xf32, #tpu.memory_space<hbm>>
        %dma_wait3A_519 = tpu.memref_squeeze %dma_wait3A_518 : memref<1x56x128xf32, #tpu.memory_space<hbm>> -> memref<56x128xf32, #tpu.memory_space<hbm>>
        %dma_wait3A_520 = arith.constant 0 : i32
        %dma_wait3A_521 = arith.constant 0 : i32
        %dma_wait3A_522 = tpu.memref_slice %arg4[%add3A_510, %dma_wait3A_520, %dma_wait3A_521] : memref<16384x56x128xf32, #tpu.memory_space<hbm>> -> memref<1x56x128xf32, #tpu.memory_space<hbm>>
        %dma_wait3A_523 = tpu.memref_squeeze %dma_wait3A_522 : memref<1x56x128xf32, #tpu.memory_space<hbm>> -> memref<56x128xf32, #tpu.memory_space<hbm>>
        %dma_wait3A_524 = arith.constant 0 : i32
        %dma_wait3A_525 = arith.constant 0 : i32
        %dma_wait3A_526 = tpu.memref_slice %arg7[%dma_wait3A_511, %dma_wait3A_524, %dma_wait3A_525] : memref<4x56x128xf32, #tpu.memory_space<vmem>> -> memref<1x56x128xf32, #tpu.memory_space<vmem>>
        %dma_wait3A_527 = tpu.memref_squeeze %dma_wait3A_526 : memref<1x56x128xf32, #tpu.memory_space<vmem>> -> memref<56x128xf32, #tpu.memory_space<vmem>>
        tpu.wait_dma2 semaphore(%arg9 : memref<!tpu.dma_semaphore, #tpu.memory_space<semaphore_mem>>) src(%dma_wait3A_527 : memref<56x128xf32, #tpu.memory_space<vmem>>) dst(%dma_wait3A_523 : memref<56x128xf32, #tpu.memory_space<hbm>>)
      } else {
      }
      %add3A_145 = arith.constant 1 : i32
      %add3A_146 = arith.addi %add3A_142, %add3A_145 : i32
      %lt3A = arith.constant 128 : i32
      %lt3A_147 = arith.cmpi slt, %add3A_146, %lt3A : i32
      %convert_element_type3A_148 = arith.extui %lt3A_147 : i1 to i32
      %cond3A_149 = arith.constant 0 : i32
      %cond3A_150 = arith.cmpi ne, %convert_element_type3A_148, %cond3A_149 : i32
      scf.if %cond3A_150 {
        %add3A_439 = arith.constant 1 : i32
        %add3A_440 = arith.addi %add3A_142, %add3A_439 : i32
        %mul3A_441 = arith.constant 4 : i32
        %mul3A_442 = arith.muli %add3A_440, %mul3A_441 : i32
        %add3A_443 = arith.constant 0 : i32
        %add3A_444 = arith.addi %mul3A_442, %add3A_443 : i32
        %dma_start3A_445 = arith.constant 0 : i32
        %dma_start3A_446 = arith.constant 0 : i32
        %dma_start3A_447 = arith.constant 0 : i32
        %dma_start3A_448 = tpu.memref_slice %arg7[%dma_start3A_445, %dma_start3A_446, %dma_start3A_447] : memref<4x56x128xf32, #tpu.memory_space<vmem>> -> memref<1x50x128xf32, #tpu.memory_space<vmem>>
        %dma_start3A_449 = tpu.memref_squeeze %dma_start3A_448 : memref<1x50x128xf32, #tpu.memory_space<vmem>> -> memref<50x128xf32, #tpu.memory_space<vmem>>
        %dma_start3A_450 = arith.constant 0 : i32
        %dma_start3A_451 = tpu.memref_slice %arg5[%add3A_444, %dma_start3A_450] : memref<512x50xi32, #tpu.memory_space<vmem>> -> memref<1x50xi32, #tpu.memory_space<vmem>>
        %dma_start3A_452 = tpu.memref_squeeze %dma_start3A_451 : memref<1x50xi32, #tpu.memory_space<vmem>> -> memref<50xi32, #tpu.memory_space<vmem>>
        %dma_start3A_453 = arith.constant 0 : i32
        %dma_start3A_454 = arith.constant 0 : i32
        %dma_start3A_455 = tpu.memref_slice %arg3[%dma_start3A_453, %dma_start3A_454] : memref<1000000x128xf32, #tpu.memory_space<hbm>> -> memref<1000000x128xf32, #tpu.memory_space<hbm>>
        tpu.enqueue_indirect_dma source(%dma_start3A_455 : memref<1000000x128xf32, #tpu.memory_space<hbm>>) target(%dma_start3A_449 : memref<50x128xf32, #tpu.memory_space<vmem>>) offsets(%dma_start3A_452 : memref<50xi32, #tpu.memory_space<vmem>>) semaphore(%arg8 : memref<!tpu.dma_semaphore, #tpu.memory_space<semaphore_mem>>)
        %mul3A_456 = arith.constant 4 : i32
        %mul3A_457 = arith.muli %add3A_440, %mul3A_456 : i32
        %add3A_458 = arith.constant 1 : i32
        %add3A_459 = arith.addi %mul3A_457, %add3A_458 : i32
        %dma_start3A_460 = arith.constant 1 : i32
        %dma_start3A_461 = arith.constant 0 : i32
        %dma_start3A_462 = arith.constant 0 : i32
        %dma_start3A_463 = tpu.memref_slice %arg7[%dma_start3A_460, %dma_start3A_461, %dma_start3A_462] : memref<4x56x128xf32, #tpu.memory_space<vmem>> -> memref<1x50x128xf32, #tpu.memory_space<vmem>>
        %dma_start3A_464 = tpu.memref_squeeze %dma_start3A_463 : memref<1x50x128xf32, #tpu.memory_space<vmem>> -> memref<50x128xf32, #tpu.memory_space<vmem>>
        %dma_start3A_465 = arith.constant 0 : i32
        %dma_start3A_466 = tpu.memref_slice %arg5[%add3A_459, %dma_start3A_465] : memref<512x50xi32, #tpu.memory_space<vmem>> -> memref<1x50xi32, #tpu.memory_space<vmem>>
        %dma_start3A_467 = tpu.memref_squeeze %dma_start3A_466 : memref<1x50xi32, #tpu.memory_space<vmem>> -> memref<50xi32, #tpu.memory_space<vmem>>
        %dma_start3A_468 = arith.constant 0 : i32
        %dma_start3A_469 = arith.constant 0 : i32
        %dma_start3A_470 = tpu.memref_slice %arg3[%dma_start3A_468, %dma_start3A_469] : memref<1000000x128xf32, #tpu.memory_space<hbm>> -> memref<1000000x128xf32, #tpu.memory_space<hbm>>
        tpu.enqueue_indirect_dma source(%dma_start3A_470 : memref<1000000x128xf32, #tpu.memory_space<hbm>>) target(%dma_start3A_464 : memref<50x128xf32, #tpu.memory_space<vmem>>) offsets(%dma_start3A_467 : memref<50xi32, #tpu.memory_space<vmem>>) semaphore(%arg8 : memref<!tpu.dma_semaphore, #tpu.memory_space<semaphore_mem>>)
        %mul3A_471 = arith.constant 4 : i32
        %mul3A_472 = arith.muli %add3A_440, %mul3A_471 : i32
        %add3A_473 = arith.constant 2 : i32
        %add3A_474 = arith.addi %mul3A_472, %add3A_473 : i32
        %dma_start3A_475 = arith.constant 2 : i32
        %dma_start3A_476 = arith.constant 0 : i32
        %dma_start3A_477 = arith.constant 0 : i32
        %dma_start3A_478 = tpu.memref_slice %arg7[%dma_start3A_475, %dma_start3A_476, %dma_start3A_477] : memref<4x56x128xf32, #tpu.memory_space<vmem>> -> memref<1x50x128xf32, #tpu.memory_space<vmem>>
        %dma_start3A_479 = tpu.memref_squeeze %dma_start3A_478 : memref<1x50x128xf32, #tpu.memory_space<vmem>> -> memref<50x128xf32, #tpu.memory_space<vmem>>
        %dma_start3A_480 = arith.constant 0 : i32
        %dma_start3A_481 = tpu.memref_slice %arg5[%add3A_474, %dma_start3A_480] : memref<512x50xi32, #tpu.memory_space<vmem>> -> memref<1x50xi32, #tpu.memory_space<vmem>>
        %dma_start3A_482 = tpu.memref_squeeze %dma_start3A_481 : memref<1x50xi32, #tpu.memory_space<vmem>> -> memref<50xi32, #tpu.memory_space<vmem>>
        %dma_start3A_483 = arith.constant 0 : i32
        %dma_start3A_484 = arith.constant 0 : i32
        %dma_start3A_485 = tpu.memref_slice %arg3[%dma_start3A_483, %dma_start3A_484] : memref<1000000x128xf32, #tpu.memory_space<hbm>> -> memref<1000000x128xf32, #tpu.memory_space<hbm>>
        tpu.enqueue_indirect_dma source(%dma_start3A_485 : memref<1000000x128xf32, #tpu.memory_space<hbm>>) target(%dma_start3A_479 : memref<50x128xf32, #tpu.memory_space<vmem>>) offsets(%dma_start3A_482 : memref<50xi32, #tpu.memory_space<vmem>>) semaphore(%arg8 : memref<!tpu.dma_semaphore, #tpu.memory_space<semaphore_mem>>)
        %mul3A_486 = arith.constant 4 : i32
        %mul3A_487 = arith.muli %add3A_440, %mul3A_486 : i32
        %add3A_488 = arith.constant 3 : i32
        %add3A_489 = arith.addi %mul3A_487, %add3A_488 : i32
        %dma_start3A_490 = arith.constant 3 : i32
        %dma_start3A_491 = arith.constant 0 : i32
        %dma_start3A_492 = arith.constant 0 : i32
        %dma_start3A_493 = tpu.memref_slice %arg7[%dma_start3A_490, %dma_start3A_491, %dma_start3A_492] : memref<4x56x128xf32, #tpu.memory_space<vmem>> -> memref<1x50x128xf32, #tpu.memory_space<vmem>>
        %dma_start3A_494 = tpu.memref_squeeze %dma_start3A_493 : memref<1x50x128xf32, #tpu.memory_space<vmem>> -> memref<50x128xf32, #tpu.memory_space<vmem>>
        %dma_start3A_495 = arith.constant 0 : i32
        %dma_start3A_496 = tpu.memref_slice %arg5[%add3A_489, %dma_start3A_495] : memref<512x50xi32, #tpu.memory_space<vmem>> -> memref<1x50xi32, #tpu.memory_space<vmem>>
        %dma_start3A_497 = tpu.memref_squeeze %dma_start3A_496 : memref<1x50xi32, #tpu.memory_space<vmem>> -> memref<50xi32, #tpu.memory_space<vmem>>
        %dma_start3A_498 = arith.constant 0 : i32
        %dma_start3A_499 = arith.constant 0 : i32
        %dma_start3A_500 = tpu.memref_slice %arg3[%dma_start3A_498, %dma_start3A_499] : memref<1000000x128xf32, #tpu.memory_space<hbm>> -> memref<1000000x128xf32, #tpu.memory_space<hbm>>
        tpu.enqueue_indirect_dma source(%dma_start3A_500 : memref<1000000x128xf32, #tpu.memory_space<hbm>>) target(%dma_start3A_494 : memref<50x128xf32, #tpu.memory_space<vmem>>) offsets(%dma_start3A_497 : memref<50xi32, #tpu.memory_space<vmem>>) semaphore(%arg8 : memref<!tpu.dma_semaphore, #tpu.memory_space<semaphore_mem>>)
      } else {
      }
      %dma_wait3A_151 = arith.constant 0 : i32
      %dma_wait3A_152 = arith.constant 0 : i32
      %dma_wait3A_153 = arith.constant 0 : i32
      %dma_wait3A_154 = arith.constant 0 : i32
      %dma_wait3A_155 = tpu.memref_slice %arg6[%dma_wait3A_152, %dma_wait3A_153, %dma_wait3A_154] : memref<4x56x128xf32, #tpu.memory_space<vmem>> -> memref<1x50x128xf32, #tpu.memory_space<vmem>>
      %dma_wait3A_156 = tpu.memref_squeeze %dma_wait3A_155 : memref<1x50x128xf32, #tpu.memory_space<vmem>> -> memref<50x128xf32, #tpu.memory_space<vmem>>
      %dma_wait3A_157 = arith.constant 0 : i32
      %dma_wait3A_158 = tpu.memref_slice %arg5[%dma_wait3A_151, %dma_wait3A_157] : memref<512x50xi32, #tpu.memory_space<vmem>> -> memref<1x50xi32, #tpu.memory_space<vmem>>
      %dma_wait3A_159 = tpu.memref_squeeze %dma_wait3A_158 : memref<1x50xi32, #tpu.memory_space<vmem>> -> memref<50xi32, #tpu.memory_space<vmem>>
      %dma_wait3A_160 = arith.constant 0 : i32
      %dma_wait3A_161 = arith.constant 0 : i32
      %dma_wait3A_162 = tpu.memref_slice %arg3[%dma_wait3A_160, %dma_wait3A_161] : memref<1000000x128xf32, #tpu.memory_space<hbm>> -> memref<1000000x128xf32, #tpu.memory_space<hbm>>
      tpu.wait_indirect_dma semaphore(%arg8 : memref<!tpu.dma_semaphore, #tpu.memory_space<semaphore_mem>>) src(%dma_wait3A_162 : memref<1000000x128xf32, #tpu.memory_space<hbm>>) dst(%dma_wait3A_156 : memref<50x128xf32, #tpu.memory_space<vmem>>)
      %dma_wait3A_163 = arith.constant 1 : i32
      %dma_wait3A_164 = arith.constant 1 : i32
      %dma_wait3A_165 = arith.constant 0 : i32
      %dma_wait3A_166 = arith.constant 0 : i32
      %dma_wait3A_167 = tpu.memref_slice %arg6[%dma_wait3A_164, %dma_wait3A_165, %dma_wait3A_166] : memref<4x56x128xf32, #tpu.memory_space<vmem>> -> memref<1x50x128xf32, #tpu.memory_space<vmem>>
      %dma_wait3A_168 = tpu.memref_squeeze %dma_wait3A_167 : memref<1x50x128xf32, #tpu.memory_space<vmem>> -> memref<50x128xf32, #tpu.memory_space<vmem>>
      %dma_wait3A_169 = arith.constant 0 : i32
      %dma_wait3A_170 = tpu.memref_slice %arg5[%dma_wait3A_163, %dma_wait3A_169] : memref<512x50xi32, #tpu.memory_space<vmem>> -> memref<1x50xi32, #tpu.memory_space<vmem>>
      %dma_wait3A_171 = tpu.memref_squeeze %dma_wait3A_170 : memref<1x50xi32, #tpu.memory_space<vmem>> -> memref<50xi32, #tpu.memory_space<vmem>>
      %dma_wait3A_172 = arith.constant 0 : i32
      %dma_wait3A_173 = arith.constant 0 : i32
      %dma_wait3A_174 = tpu.memref_slice %arg3[%dma_wait3A_172, %dma_wait3A_173] : memref<1000000x128xf32, #tpu.memory_space<hbm>> -> memref<1000000x128xf32, #tpu.memory_space<hbm>>
      tpu.wait_indirect_dma semaphore(%arg8 : memref<!tpu.dma_semaphore, #tpu.memory_space<semaphore_mem>>) src(%dma_wait3A_174 : memref<1000000x128xf32, #tpu.memory_space<hbm>>) dst(%dma_wait3A_168 : memref<50x128xf32, #tpu.memory_space<vmem>>)
      %dma_wait3A_175 = arith.constant 2 : i32
      %dma_wait3A_176 = arith.constant 2 : i32
      %dma_wait3A_177 = arith.constant 0 : i32
      %dma_wait3A_178 = arith.constant 0 : i32
      %dma_wait3A_179 = tpu.memref_slice %arg6[%dma_wait3A_176, %dma_wait3A_177, %dma_wait3A_178] : memref<4x56x128xf32, #tpu.memory_space<vmem>> -> memref<1x50x128xf32, #tpu.memory_space<vmem>>
      %dma_wait3A_180 = tpu.memref_squeeze %dma_wait3A_179 : memref<1x50x128xf32, #tpu.memory_space<vmem>> -> memref<50x128xf32, #tpu.memory_space<vmem>>
      %dma_wait3A_181 = arith.constant 0 : i32
      %dma_wait3A_182 = tpu.memref_slice %arg5[%dma_wait3A_175, %dma_wait3A_181] : memref<512x50xi32, #tpu.memory_space<vmem>> -> memref<1x50xi32, #tpu.memory_space<vmem>>
      %dma_wait3A_183 = tpu.memref_squeeze %dma_wait3A_182 : memref<1x50xi32, #tpu.memory_space<vmem>> -> memref<50xi32, #tpu.memory_space<vmem>>
      %dma_wait3A_184 = arith.constant 0 : i32
      %dma_wait3A_185 = arith.constant 0 : i32
      %dma_wait3A_186 = tpu.memref_slice %arg3[%dma_wait3A_184, %dma_wait3A_185] : memref<1000000x128xf32, #tpu.memory_space<hbm>> -> memref<1000000x128xf32, #tpu.memory_space<hbm>>
      tpu.wait_indirect_dma semaphore(%arg8 : memref<!tpu.dma_semaphore, #tpu.memory_space<semaphore_mem>>) src(%dma_wait3A_186 : memref<1000000x128xf32, #tpu.memory_space<hbm>>) dst(%dma_wait3A_180 : memref<50x128xf32, #tpu.memory_space<vmem>>)
      %dma_wait3A_187 = arith.constant 3 : i32
      %dma_wait3A_188 = arith.constant 3 : i32
      %dma_wait3A_189 = arith.constant 0 : i32
      %dma_wait3A_190 = arith.constant 0 : i32
      %dma_wait3A_191 = tpu.memref_slice %arg6[%dma_wait3A_188, %dma_wait3A_189, %dma_wait3A_190] : memref<4x56x128xf32, #tpu.memory_space<vmem>> -> memref<1x50x128xf32, #tpu.memory_space<vmem>>
      %dma_wait3A_192 = tpu.memref_squeeze %dma_wait3A_191 : memref<1x50x128xf32, #tpu.memory_space<vmem>> -> memref<50x128xf32, #tpu.memory_space<vmem>>
      %dma_wait3A_193 = arith.constant 0 : i32
      %dma_wait3A_194 = tpu.memref_slice %arg5[%dma_wait3A_187, %dma_wait3A_193] : memref<512x50xi32, #tpu.memory_space<vmem>> -> memref<1x50xi32, #tpu.memory_space<vmem>>
      %dma_wait3A_195 = tpu.memref_squeeze %dma_wait3A_194 : memref<1x50xi32, #tpu.memory_space<vmem>> -> memref<50xi32, #tpu.memory_space<vmem>>
      %dma_wait3A_196 = arith.constant 0 : i32
      %dma_wait3A_197 = arith.constant 0 : i32
      %dma_wait3A_198 = tpu.memref_slice %arg3[%dma_wait3A_196, %dma_wait3A_197] : memref<1000000x128xf32, #tpu.memory_space<hbm>> -> memref<1000000x128xf32, #tpu.memory_space<hbm>>
      tpu.wait_indirect_dma semaphore(%arg8 : memref<!tpu.dma_semaphore, #tpu.memory_space<semaphore_mem>>) src(%dma_wait3A_198 : memref<1000000x128xf32, #tpu.memory_space<hbm>>) dst(%dma_wait3A_192 : memref<50x128xf32, #tpu.memory_space<vmem>>)
      %mul3A_199 = arith.constant 4 : i32
      %mul3A_200 = arith.muli %add3A_142, %mul3A_199 : i32
      %add3A_201 = arith.addi %multiple_of3A, %mul3A_200 : i32
      %add3A_202 = arith.constant 0 : i32
      %add3A_203 = arith.addi %add3A_201, %add3A_202 : i32
      %dma_start3A_204 = arith.constant 0 : i32
      %dma_start3A_205 = arith.constant 0 : i32
      %dma_start3A_206 = arith.constant 0 : i32
      %dma_start3A_207 = tpu.memref_slice %arg6[%dma_start3A_204, %dma_start3A_205, %dma_start3A_206] : memref<4x56x128xf32, #tpu.memory_space<vmem>> -> memref<1x56x128xf32, #tpu.memory_space<vmem>>
      %dma_start3A_208 = tpu.memref_squeeze %dma_start3A_207 : memref<1x56x128xf32, #tpu.memory_space<vmem>> -> memref<56x128xf32, #tpu.memory_space<vmem>>
      %dma_start3A_209 = arith.constant 0 : i32
      %dma_start3A_210 = arith.constant 0 : i32
      %dma_start3A_211 = tpu.memref_slice %arg4[%add3A_203, %dma_start3A_209, %dma_start3A_210] : memref<16384x56x128xf32, #tpu.memory_space<hbm>> -> memref<1x56x128xf32, #tpu.memory_space<hbm>>
      %dma_start3A_212 = tpu.memref_squeeze %dma_start3A_211 : memref<1x56x128xf32, #tpu.memory_space<hbm>> -> memref<56x128xf32, #tpu.memory_space<hbm>>
      %dma_start3A_213 = arith.constant 0 : i32
      %dma_start3A_214 = arith.constant 0 : i32
      %dma_start3A_215 = tpu.memref_slice %arg4[%add3A_203, %dma_start3A_213, %dma_start3A_214] : memref<16384x56x128xf32, #tpu.memory_space<hbm>> -> memref<1x56x128xf32, #tpu.memory_space<hbm>>
      %dma_start3A_216 = tpu.memref_squeeze %dma_start3A_215 : memref<1x56x128xf32, #tpu.memory_space<hbm>> -> memref<56x128xf32, #tpu.memory_space<hbm>>
      %dma_start3A_217 = arith.constant 0 : i32
      %dma_start3A_218 = arith.constant 0 : i32
      %dma_start3A_219 = tpu.memref_slice %arg6[%dma_start3A_204, %dma_start3A_217, %dma_start3A_218] : memref<4x56x128xf32, #tpu.memory_space<vmem>> -> memref<1x56x128xf32, #tpu.memory_space<vmem>>
      %dma_start3A_220 = tpu.memref_squeeze %dma_start3A_219 : memref<1x56x128xf32, #tpu.memory_space<vmem>> -> memref<56x128xf32, #tpu.memory_space<vmem>>
      tpu.enqueue_dma source(%dma_start3A_220 : memref<56x128xf32, #tpu.memory_space<vmem>>) target(%dma_start3A_216 : memref<56x128xf32, #tpu.memory_space<hbm>>) target_semaphore(%arg9 : memref<!tpu.dma_semaphore, #tpu.memory_space<semaphore_mem>>)
      %mul3A_221 = arith.constant 4 : i32
      %mul3A_222 = arith.muli %add3A_142, %mul3A_221 : i32
      %add3A_223 = arith.addi %multiple_of3A, %mul3A_222 : i32
      %add3A_224 = arith.constant 1 : i32
      %add3A_225 = arith.addi %add3A_223, %add3A_224 : i32
      %dma_start3A_226 = arith.constant 1 : i32
      %dma_start3A_227 = arith.constant 0 : i32
      %dma_start3A_228 = arith.constant 0 : i32
      %dma_start3A_229 = tpu.memref_slice %arg6[%dma_start3A_226, %dma_start3A_227, %dma_start3A_228] : memref<4x56x128xf32, #tpu.memory_space<vmem>> -> memref<1x56x128xf32, #tpu.memory_space<vmem>>
      %dma_start3A_230 = tpu.memref_squeeze %dma_start3A_229 : memref<1x56x128xf32, #tpu.memory_space<vmem>> -> memref<56x128xf32, #tpu.memory_space<vmem>>
      %dma_start3A_231 = arith.constant 0 : i32
      %dma_start3A_232 = arith.constant 0 : i32
      %dma_start3A_233 = tpu.memref_slice %arg4[%add3A_225, %dma_start3A_231, %dma_start3A_232] : memref<16384x56x128xf32, #tpu.memory_space<hbm>> -> memref<1x56x128xf32, #tpu.memory_space<hbm>>
      %dma_start3A_234 = tpu.memref_squeeze %dma_start3A_233 : memref<1x56x128xf32, #tpu.memory_space<hbm>> -> memref<56x128xf32, #tpu.memory_space<hbm>>
      %dma_start3A_235 = arith.constant 0 : i32
      %dma_start3A_236 = arith.constant 0 : i32
      %dma_start3A_237 = tpu.memref_slice %arg4[%add3A_225, %dma_start3A_235, %dma_start3A_236] : memref<16384x56x128xf32, #tpu.memory_space<hbm>> -> memref<1x56x128xf32, #tpu.memory_space<hbm>>
      %dma_start3A_238 = tpu.memref_squeeze %dma_start3A_237 : memref<1x56x128xf32, #tpu.memory_space<hbm>> -> memref<56x128xf32, #tpu.memory_space<hbm>>
      %dma_start3A_239 = arith.constant 0 : i32
      %dma_start3A_240 = arith.constant 0 : i32
      %dma_start3A_241 = tpu.memref_slice %arg6[%dma_start3A_226, %dma_start3A_239, %dma_start3A_240] : memref<4x56x128xf32, #tpu.memory_space<vmem>> -> memref<1x56x128xf32, #tpu.memory_space<vmem>>
      %dma_start3A_242 = tpu.memref_squeeze %dma_start3A_241 : memref<1x56x128xf32, #tpu.memory_space<vmem>> -> memref<56x128xf32, #tpu.memory_space<vmem>>
      tpu.enqueue_dma source(%dma_start3A_242 : memref<56x128xf32, #tpu.memory_space<vmem>>) target(%dma_start3A_238 : memref<56x128xf32, #tpu.memory_space<hbm>>) target_semaphore(%arg9 : memref<!tpu.dma_semaphore, #tpu.memory_space<semaphore_mem>>)
      %mul3A_243 = arith.constant 4 : i32
      %mul3A_244 = arith.muli %add3A_142, %mul3A_243 : i32
      %add3A_245 = arith.addi %multiple_of3A, %mul3A_244 : i32
      %add3A_246 = arith.constant 2 : i32
      %add3A_247 = arith.addi %add3A_245, %add3A_246 : i32
      %dma_start3A_248 = arith.constant 2 : i32
      %dma_start3A_249 = arith.constant 0 : i32
      %dma_start3A_250 = arith.constant 0 : i32
      %dma_start3A_251 = tpu.memref_slice %arg6[%dma_start3A_248, %dma_start3A_249, %dma_start3A_250] : memref<4x56x128xf32, #tpu.memory_space<vmem>> -> memref<1x56x128xf32, #tpu.memory_space<vmem>>
      %dma_start3A_252 = tpu.memref_squeeze %dma_start3A_251 : memref<1x56x128xf32, #tpu.memory_space<vmem>> -> memref<56x128xf32, #tpu.memory_space<vmem>>
      %dma_start3A_253 = arith.constant 0 : i32
      %dma_start3A_254 = arith.constant 0 : i32
      %dma_start3A_255 = tpu.memref_slice %arg4[%add3A_247, %dma_start3A_253, %dma_start3A_254] : memref<16384x56x128xf32, #tpu.memory_space<hbm>> -> memref<1x56x128xf32, #tpu.memory_space<hbm>>
      %dma_start3A_256 = tpu.memref_squeeze %dma_start3A_255 : memref<1x56x128xf32, #tpu.memory_space<hbm>> -> memref<56x128xf32, #tpu.memory_space<hbm>>
      %dma_start3A_257 = arith.constant 0 : i32
      %dma_start3A_258 = arith.constant 0 : i32
      %dma_start3A_259 = tpu.memref_slice %arg4[%add3A_247, %dma_start3A_257, %dma_start3A_258] : memref<16384x56x128xf32, #tpu.memory_space<hbm>> -> memref<1x56x128xf32, #tpu.memory_space<hbm>>
      %dma_start3A_260 = tpu.memref_squeeze %dma_start3A_259 : memref<1x56x128xf32, #tpu.memory_space<hbm>> -> memref<56x128xf32, #tpu.memory_space<hbm>>
      %dma_start3A_261 = arith.constant 0 : i32
      %dma_start3A_262 = arith.constant 0 : i32
      %dma_start3A_263 = tpu.memref_slice %arg6[%dma_start3A_248, %dma_start3A_261, %dma_start3A_262] : memref<4x56x128xf32, #tpu.memory_space<vmem>> -> memref<1x56x128xf32, #tpu.memory_space<vmem>>
      %dma_start3A_264 = tpu.memref_squeeze %dma_start3A_263 : memref<1x56x128xf32, #tpu.memory_space<vmem>> -> memref<56x128xf32, #tpu.memory_space<vmem>>
      tpu.enqueue_dma source(%dma_start3A_264 : memref<56x128xf32, #tpu.memory_space<vmem>>) target(%dma_start3A_260 : memref<56x128xf32, #tpu.memory_space<hbm>>) target_semaphore(%arg9 : memref<!tpu.dma_semaphore, #tpu.memory_space<semaphore_mem>>)
      %mul3A_265 = arith.constant 4 : i32
      %mul3A_266 = arith.muli %add3A_142, %mul3A_265 : i32
      %add3A_267 = arith.addi %multiple_of3A, %mul3A_266 : i32
      %add3A_268 = arith.constant 3 : i32
      %add3A_269 = arith.addi %add3A_267, %add3A_268 : i32
      %dma_start3A_270 = arith.constant 3 : i32
      %dma_start3A_271 = arith.constant 0 : i32
      %dma_start3A_272 = arith.constant 0 : i32
      %dma_start3A_273 = tpu.memref_slice %arg6[%dma_start3A_270, %dma_start3A_271, %dma_start3A_272] : memref<4x56x128xf32, #tpu.memory_space<vmem>> -> memref<1x56x128xf32, #tpu.memory_space<vmem>>
      %dma_start3A_274 = tpu.memref_squeeze %dma_start3A_273 : memref<1x56x128xf32, #tpu.memory_space<vmem>> -> memref<56x128xf32, #tpu.memory_space<vmem>>
      %dma_start3A_275 = arith.constant 0 : i32
      %dma_start3A_276 = arith.constant 0 : i32
      %dma_start3A_277 = tpu.memref_slice %arg4[%add3A_269, %dma_start3A_275, %dma_start3A_276] : memref<16384x56x128xf32, #tpu.memory_space<hbm>> -> memref<1x56x128xf32, #tpu.memory_space<hbm>>
      %dma_start3A_278 = tpu.memref_squeeze %dma_start3A_277 : memref<1x56x128xf32, #tpu.memory_space<hbm>> -> memref<56x128xf32, #tpu.memory_space<hbm>>
      %dma_start3A_279 = arith.constant 0 : i32
      %dma_start3A_280 = arith.constant 0 : i32
      %dma_start3A_281 = tpu.memref_slice %arg4[%add3A_269, %dma_start3A_279, %dma_start3A_280] : memref<16384x56x128xf32, #tpu.memory_space<hbm>> -> memref<1x56x128xf32, #tpu.memory_space<hbm>>
      %dma_start3A_282 = tpu.memref_squeeze %dma_start3A_281 : memref<1x56x128xf32, #tpu.memory_space<hbm>> -> memref<56x128xf32, #tpu.memory_space<hbm>>
      %dma_start3A_283 = arith.constant 0 : i32
      %dma_start3A_284 = arith.constant 0 : i32
      %dma_start3A_285 = tpu.memref_slice %arg6[%dma_start3A_270, %dma_start3A_283, %dma_start3A_284] : memref<4x56x128xf32, #tpu.memory_space<vmem>> -> memref<1x56x128xf32, #tpu.memory_space<vmem>>
      %dma_start3A_286 = tpu.memref_squeeze %dma_start3A_285 : memref<1x56x128xf32, #tpu.memory_space<vmem>> -> memref<56x128xf32, #tpu.memory_space<vmem>>
      tpu.enqueue_dma source(%dma_start3A_286 : memref<56x128xf32, #tpu.memory_space<vmem>>) target(%dma_start3A_282 : memref<56x128xf32, #tpu.memory_space<hbm>>) target_semaphore(%arg9 : memref<!tpu.dma_semaphore, #tpu.memory_space<semaphore_mem>>)
      %mul3A_287 = arith.constant 2 : i32
      %mul3A_288 = arith.muli %scan3A_138, %mul3A_287 : i32
      %add3A_289 = arith.constant 1 : i32
      %add3A_290 = arith.addi %mul3A_288, %add3A_289 : i32
      %ge3A_291 = arith.constant 1 : i32
      %ge3A_292 = arith.cmpi sge, %add3A_290, %ge3A_291 : i32
      %convert_element_type3A_293 = arith.extui %ge3A_292 : i1 to i32
      %cond3A_294 = arith.constant 0 : i32
      %cond3A_295 = arith.cmpi ne, %convert_element_type3A_293, %cond3A_294 : i32
      scf.if %cond3A_295 {
        %sub3A = arith.constant 1 : i32
        %sub3A_439 = arith.subi %add3A_290, %sub3A : i32
        %mul3A_440 = arith.constant 4 : i32
        %mul3A_441 = arith.muli %sub3A_439, %mul3A_440 : i32
        %add3A_442 = arith.addi %multiple_of3A, %mul3A_441 : i32
        %add3A_443 = arith.constant 0 : i32
        %add3A_444 = arith.addi %add3A_442, %add3A_443 : i32
        %dma_wait3A_445 = arith.constant 0 : i32
        %dma_wait3A_446 = arith.constant 0 : i32
        %dma_wait3A_447 = arith.constant 0 : i32
        %dma_wait3A_448 = tpu.memref_slice %arg6[%dma_wait3A_445, %dma_wait3A_446, %dma_wait3A_447] : memref<4x56x128xf32, #tpu.memory_space<vmem>> -> memref<1x56x128xf32, #tpu.memory_space<vmem>>
        %dma_wait3A_449 = tpu.memref_squeeze %dma_wait3A_448 : memref<1x56x128xf32, #tpu.memory_space<vmem>> -> memref<56x128xf32, #tpu.memory_space<vmem>>
        %dma_wait3A_450 = arith.constant 0 : i32
        %dma_wait3A_451 = arith.constant 0 : i32
        %dma_wait3A_452 = tpu.memref_slice %arg4[%add3A_444, %dma_wait3A_450, %dma_wait3A_451] : memref<16384x56x128xf32, #tpu.memory_space<hbm>> -> memref<1x56x128xf32, #tpu.memory_space<hbm>>
        %dma_wait3A_453 = tpu.memref_squeeze %dma_wait3A_452 : memref<1x56x128xf32, #tpu.memory_space<hbm>> -> memref<56x128xf32, #tpu.memory_space<hbm>>
        %dma_wait3A_454 = arith.constant 0 : i32
        %dma_wait3A_455 = arith.constant 0 : i32
        %dma_wait3A_456 = tpu.memref_slice %arg4[%add3A_444, %dma_wait3A_454, %dma_wait3A_455] : memref<16384x56x128xf32, #tpu.memory_space<hbm>> -> memref<1x56x128xf32, #tpu.memory_space<hbm>>
        %dma_wait3A_457 = tpu.memref_squeeze %dma_wait3A_456 : memref<1x56x128xf32, #tpu.memory_space<hbm>> -> memref<56x128xf32, #tpu.memory_space<hbm>>
        %dma_wait3A_458 = arith.constant 0 : i32
        %dma_wait3A_459 = arith.constant 0 : i32
        %dma_wait3A_460 = tpu.memref_slice %arg6[%dma_wait3A_445, %dma_wait3A_458, %dma_wait3A_459] : memref<4x56x128xf32, #tpu.memory_space<vmem>> -> memref<1x56x128xf32, #tpu.memory_space<vmem>>
        %dma_wait3A_461 = tpu.memref_squeeze %dma_wait3A_460 : memref<1x56x128xf32, #tpu.memory_space<vmem>> -> memref<56x128xf32, #tpu.memory_space<vmem>>
        tpu.wait_dma2 semaphore(%arg9 : memref<!tpu.dma_semaphore, #tpu.memory_space<semaphore_mem>>) src(%dma_wait3A_461 : memref<56x128xf32, #tpu.memory_space<vmem>>) dst(%dma_wait3A_457 : memref<56x128xf32, #tpu.memory_space<hbm>>)
        %mul3A_462 = arith.constant 4 : i32
        %mul3A_463 = arith.muli %sub3A_439, %mul3A_462 : i32
        %add3A_464 = arith.addi %multiple_of3A, %mul3A_463 : i32
        %add3A_465 = arith.constant 1 : i32
        %add3A_466 = arith.addi %add3A_464, %add3A_465 : i32
        %dma_wait3A_467 = arith.constant 1 : i32
        %dma_wait3A_468 = arith.constant 0 : i32
        %dma_wait3A_469 = arith.constant 0 : i32
        %dma_wait3A_470 = tpu.memref_slice %arg6[%dma_wait3A_467, %dma_wait3A_468, %dma_wait3A_469] : memref<4x56x128xf32, #tpu.memory_space<vmem>> -> memref<1x56x128xf32, #tpu.memory_space<vmem>>
        %dma_wait3A_471 = tpu.memref_squeeze %dma_wait3A_470 : memref<1x56x128xf32, #tpu.memory_space<vmem>> -> memref<56x128xf32, #tpu.memory_space<vmem>>
        %dma_wait3A_472 = arith.constant 0 : i32
        %dma_wait3A_473 = arith.constant 0 : i32
        %dma_wait3A_474 = tpu.memref_slice %arg4[%add3A_466, %dma_wait3A_472, %dma_wait3A_473] : memref<16384x56x128xf32, #tpu.memory_space<hbm>> -> memref<1x56x128xf32, #tpu.memory_space<hbm>>
        %dma_wait3A_475 = tpu.memref_squeeze %dma_wait3A_474 : memref<1x56x128xf32, #tpu.memory_space<hbm>> -> memref<56x128xf32, #tpu.memory_space<hbm>>
        %dma_wait3A_476 = arith.constant 0 : i32
        %dma_wait3A_477 = arith.constant 0 : i32
        %dma_wait3A_478 = tpu.memref_slice %arg4[%add3A_466, %dma_wait3A_476, %dma_wait3A_477] : memref<16384x56x128xf32, #tpu.memory_space<hbm>> -> memref<1x56x128xf32, #tpu.memory_space<hbm>>
        %dma_wait3A_479 = tpu.memref_squeeze %dma_wait3A_478 : memref<1x56x128xf32, #tpu.memory_space<hbm>> -> memref<56x128xf32, #tpu.memory_space<hbm>>
        %dma_wait3A_480 = arith.constant 0 : i32
        %dma_wait3A_481 = arith.constant 0 : i32
        %dma_wait3A_482 = tpu.memref_slice %arg6[%dma_wait3A_467, %dma_wait3A_480, %dma_wait3A_481] : memref<4x56x128xf32, #tpu.memory_space<vmem>> -> memref<1x56x128xf32, #tpu.memory_space<vmem>>
        %dma_wait3A_483 = tpu.memref_squeeze %dma_wait3A_482 : memref<1x56x128xf32, #tpu.memory_space<vmem>> -> memref<56x128xf32, #tpu.memory_space<vmem>>
        tpu.wait_dma2 semaphore(%arg9 : memref<!tpu.dma_semaphore, #tpu.memory_space<semaphore_mem>>) src(%dma_wait3A_483 : memref<56x128xf32, #tpu.memory_space<vmem>>) dst(%dma_wait3A_479 : memref<56x128xf32, #tpu.memory_space<hbm>>)
        %mul3A_484 = arith.constant 4 : i32
        %mul3A_485 = arith.muli %sub3A_439, %mul3A_484 : i32
        %add3A_486 = arith.addi %multiple_of3A, %mul3A_485 : i32
        %add3A_487 = arith.constant 2 : i32
        %add3A_488 = arith.addi %add3A_486, %add3A_487 : i32
        %dma_wait3A_489 = arith.constant 2 : i32
        %dma_wait3A_490 = arith.constant 0 : i32
        %dma_wait3A_491 = arith.constant 0 : i32
        %dma_wait3A_492 = tpu.memref_slice %arg6[%dma_wait3A_489, %dma_wait3A_490, %dma_wait3A_491] : memref<4x56x128xf32, #tpu.memory_space<vmem>> -> memref<1x56x128xf32, #tpu.memory_space<vmem>>
        %dma_wait3A_493 = tpu.memref_squeeze %dma_wait3A_492 : memref<1x56x128xf32, #tpu.memory_space<vmem>> -> memref<56x128xf32, #tpu.memory_space<vmem>>
        %dma_wait3A_494 = arith.constant 0 : i32
        %dma_wait3A_495 = arith.constant 0 : i32
        %dma_wait3A_496 = tpu.memref_slice %arg4[%add3A_488, %dma_wait3A_494, %dma_wait3A_495] : memref<16384x56x128xf32, #tpu.memory_space<hbm>> -> memref<1x56x128xf32, #tpu.memory_space<hbm>>
        %dma_wait3A_497 = tpu.memref_squeeze %dma_wait3A_496 : memref<1x56x128xf32, #tpu.memory_space<hbm>> -> memref<56x128xf32, #tpu.memory_space<hbm>>
        %dma_wait3A_498 = arith.constant 0 : i32
        %dma_wait3A_499 = arith.constant 0 : i32
        %dma_wait3A_500 = tpu.memref_slice %arg4[%add3A_488, %dma_wait3A_498, %dma_wait3A_499] : memref<16384x56x128xf32, #tpu.memory_space<hbm>> -> memref<1x56x128xf32, #tpu.memory_space<hbm>>
        %dma_wait3A_501 = tpu.memref_squeeze %dma_wait3A_500 : memref<1x56x128xf32, #tpu.memory_space<hbm>> -> memref<56x128xf32, #tpu.memory_space<hbm>>
        %dma_wait3A_502 = arith.constant 0 : i32
        %dma_wait3A_503 = arith.constant 0 : i32
        %dma_wait3A_504 = tpu.memref_slice %arg6[%dma_wait3A_489, %dma_wait3A_502, %dma_wait3A_503] : memref<4x56x128xf32, #tpu.memory_space<vmem>> -> memref<1x56x128xf32, #tpu.memory_space<vmem>>
        %dma_wait3A_505 = tpu.memref_squeeze %dma_wait3A_504 : memref<1x56x128xf32, #tpu.memory_space<vmem>> -> memref<56x128xf32, #tpu.memory_space<vmem>>
        tpu.wait_dma2 semaphore(%arg9 : memref<!tpu.dma_semaphore, #tpu.memory_space<semaphore_mem>>) src(%dma_wait3A_505 : memref<56x128xf32, #tpu.memory_space<vmem>>) dst(%dma_wait3A_501 : memref<56x128xf32, #tpu.memory_space<hbm>>)
        %mul3A_506 = arith.constant 4 : i32
        %mul3A_507 = arith.muli %sub3A_439, %mul3A_506 : i32
        %add3A_508 = arith.addi %multiple_of3A, %mul3A_507 : i32
        %add3A_509 = arith.constant 3 : i32
        %add3A_510 = arith.addi %add3A_508, %add3A_509 : i32
        %dma_wait3A_511 = arith.constant 3 : i32
        %dma_wait3A_512 = arith.constant 0 : i32
        %dma_wait3A_513 = arith.constant 0 : i32
        %dma_wait3A_514 = tpu.memref_slice %arg6[%dma_wait3A_511, %dma_wait3A_512, %dma_wait3A_513] : memref<4x56x128xf32, #tpu.memory_space<vmem>> -> memref<1x56x128xf32, #tpu.memory_space<vmem>>
        %dma_wait3A_515 = tpu.memref_squeeze %dma_wait3A_514 : memref<1x56x128xf32, #tpu.memory_space<vmem>> -> memref<56x128xf32, #tpu.memory_space<vmem>>
        %dma_wait3A_516 = arith.constant 0 : i32
        %dma_wait3A_517 = arith.constant 0 : i32
        %dma_wait3A_518 = tpu.memref_slice %arg4[%add3A_510, %dma_wait3A_516, %dma_wait3A_517] : memref<16384x56x128xf32, #tpu.memory_space<hbm>> -> memref<1x56x128xf32, #tpu.memory_space<hbm>>
        %dma_wait3A_519 = tpu.memref_squeeze %dma_wait3A_518 : memref<1x56x128xf32, #tpu.memory_space<hbm>> -> memref<56x128xf32, #tpu.memory_space<hbm>>
        %dma_wait3A_520 = arith.constant 0 : i32
        %dma_wait3A_521 = arith.constant 0 : i32
        %dma_wait3A_522 = tpu.memref_slice %arg4[%add3A_510, %dma_wait3A_520, %dma_wait3A_521] : memref<16384x56x128xf32, #tpu.memory_space<hbm>> -> memref<1x56x128xf32, #tpu.memory_space<hbm>>
        %dma_wait3A_523 = tpu.memref_squeeze %dma_wait3A_522 : memref<1x56x128xf32, #tpu.memory_space<hbm>> -> memref<56x128xf32, #tpu.memory_space<hbm>>
        %dma_wait3A_524 = arith.constant 0 : i32
        %dma_wait3A_525 = arith.constant 0 : i32
        %dma_wait3A_526 = tpu.memref_slice %arg6[%dma_wait3A_511, %dma_wait3A_524, %dma_wait3A_525] : memref<4x56x128xf32, #tpu.memory_space<vmem>> -> memref<1x56x128xf32, #tpu.memory_space<vmem>>
        %dma_wait3A_527 = tpu.memref_squeeze %dma_wait3A_526 : memref<1x56x128xf32, #tpu.memory_space<vmem>> -> memref<56x128xf32, #tpu.memory_space<vmem>>
        tpu.wait_dma2 semaphore(%arg9 : memref<!tpu.dma_semaphore, #tpu.memory_space<semaphore_mem>>) src(%dma_wait3A_527 : memref<56x128xf32, #tpu.memory_space<vmem>>) dst(%dma_wait3A_523 : memref<56x128xf32, #tpu.memory_space<hbm>>)
      } else {
      }
      %add3A_296 = arith.constant 1 : i32
      %add3A_297 = arith.addi %add3A_290, %add3A_296 : i32
      %lt3A_298 = arith.constant 128 : i32
      %lt3A_299 = arith.cmpi slt, %add3A_297, %lt3A_298 : i32
      %convert_element_type3A_300 = arith.extui %lt3A_299 : i1 to i32
      %cond3A_301 = arith.constant 0 : i32
      %cond3A_302 = arith.cmpi ne, %convert_element_type3A_300, %cond3A_301 : i32
      scf.if %cond3A_302 {
        %add3A_439 = arith.constant 1 : i32
        %add3A_440 = arith.addi %add3A_290, %add3A_439 : i32
        %mul3A_441 = arith.constant 4 : i32
        %mul3A_442 = arith.muli %add3A_440, %mul3A_441 : i32
        %add3A_443 = arith.constant 0 : i32
        %add3A_444 = arith.addi %mul3A_442, %add3A_443 : i32
        %dma_start3A_445 = arith.constant 0 : i32
        %dma_start3A_446 = arith.constant 0 : i32
        %dma_start3A_447 = arith.constant 0 : i32
        %dma_start3A_448 = tpu.memref_slice %arg6[%dma_start3A_445, %dma_start3A_446, %dma_start3A_447] : memref<4x56x128xf32, #tpu.memory_space<vmem>> -> memref<1x50x128xf32, #tpu.memory_space<vmem>>
        %dma_start3A_449 = tpu.memref_squeeze %dma_start3A_448 : memref<1x50x128xf32, #tpu.memory_space<vmem>> -> memref<50x128xf32, #tpu.memory_space<vmem>>
        %dma_start3A_450 = arith.constant 0 : i32
        %dma_start3A_451 = tpu.memref_slice %arg5[%add3A_444, %dma_start3A_450] : memref<512x50xi32, #tpu.memory_space<vmem>> -> memref<1x50xi32, #tpu.memory_space<vmem>>
        %dma_start3A_452 = tpu.memref_squeeze %dma_start3A_451 : memref<1x50xi32, #tpu.memory_space<vmem>> -> memref<50xi32, #tpu.memory_space<vmem>>
        %dma_start3A_453 = arith.constant 0 : i32
        %dma_start3A_454 = arith.constant 0 : i32
        %dma_start3A_455 = tpu.memref_slice %arg3[%dma_start3A_453, %dma_start3A_454] : memref<1000000x128xf32, #tpu.memory_space<hbm>> -> memref<1000000x128xf32, #tpu.memory_space<hbm>>
        tpu.enqueue_indirect_dma source(%dma_start3A_455 : memref<1000000x128xf32, #tpu.memory_space<hbm>>) target(%dma_start3A_449 : memref<50x128xf32, #tpu.memory_space<vmem>>) offsets(%dma_start3A_452 : memref<50xi32, #tpu.memory_space<vmem>>) semaphore(%arg8 : memref<!tpu.dma_semaphore, #tpu.memory_space<semaphore_mem>>)
        %mul3A_456 = arith.constant 4 : i32
        %mul3A_457 = arith.muli %add3A_440, %mul3A_456 : i32
        %add3A_458 = arith.constant 1 : i32
        %add3A_459 = arith.addi %mul3A_457, %add3A_458 : i32
        %dma_start3A_460 = arith.constant 1 : i32
        %dma_start3A_461 = arith.constant 0 : i32
        %dma_start3A_462 = arith.constant 0 : i32
        %dma_start3A_463 = tpu.memref_slice %arg6[%dma_start3A_460, %dma_start3A_461, %dma_start3A_462] : memref<4x56x128xf32, #tpu.memory_space<vmem>> -> memref<1x50x128xf32, #tpu.memory_space<vmem>>
        %dma_start3A_464 = tpu.memref_squeeze %dma_start3A_463 : memref<1x50x128xf32, #tpu.memory_space<vmem>> -> memref<50x128xf32, #tpu.memory_space<vmem>>
        %dma_start3A_465 = arith.constant 0 : i32
        %dma_start3A_466 = tpu.memref_slice %arg5[%add3A_459, %dma_start3A_465] : memref<512x50xi32, #tpu.memory_space<vmem>> -> memref<1x50xi32, #tpu.memory_space<vmem>>
        %dma_start3A_467 = tpu.memref_squeeze %dma_start3A_466 : memref<1x50xi32, #tpu.memory_space<vmem>> -> memref<50xi32, #tpu.memory_space<vmem>>
        %dma_start3A_468 = arith.constant 0 : i32
        %dma_start3A_469 = arith.constant 0 : i32
        %dma_start3A_470 = tpu.memref_slice %arg3[%dma_start3A_468, %dma_start3A_469] : memref<1000000x128xf32, #tpu.memory_space<hbm>> -> memref<1000000x128xf32, #tpu.memory_space<hbm>>
        tpu.enqueue_indirect_dma source(%dma_start3A_470 : memref<1000000x128xf32, #tpu.memory_space<hbm>>) target(%dma_start3A_464 : memref<50x128xf32, #tpu.memory_space<vmem>>) offsets(%dma_start3A_467 : memref<50xi32, #tpu.memory_space<vmem>>) semaphore(%arg8 : memref<!tpu.dma_semaphore, #tpu.memory_space<semaphore_mem>>)
        %mul3A_471 = arith.constant 4 : i32
        %mul3A_472 = arith.muli %add3A_440, %mul3A_471 : i32
        %add3A_473 = arith.constant 2 : i32
        %add3A_474 = arith.addi %mul3A_472, %add3A_473 : i32
        %dma_start3A_475 = arith.constant 2 : i32
        %dma_start3A_476 = arith.constant 0 : i32
        %dma_start3A_477 = arith.constant 0 : i32
        %dma_start3A_478 = tpu.memref_slice %arg6[%dma_start3A_475, %dma_start3A_476, %dma_start3A_477] : memref<4x56x128xf32, #tpu.memory_space<vmem>> -> memref<1x50x128xf32, #tpu.memory_space<vmem>>
        %dma_start3A_479 = tpu.memref_squeeze %dma_start3A_478 : memref<1x50x128xf32, #tpu.memory_space<vmem>> -> memref<50x128xf32, #tpu.memory_space<vmem>>
        %dma_start3A_480 = arith.constant 0 : i32
        %dma_start3A_481 = tpu.memref_slice %arg5[%add3A_474, %dma_start3A_480] : memref<512x50xi32, #tpu.memory_space<vmem>> -> memref<1x50xi32, #tpu.memory_space<vmem>>
        %dma_start3A_482 = tpu.memref_squeeze %dma_start3A_481 : memref<1x50xi32, #tpu.memory_space<vmem>> -> memref<50xi32, #tpu.memory_space<vmem>>
        %dma_start3A_483 = arith.constant 0 : i32
        %dma_start3A_484 = arith.constant 0 : i32
        %dma_start3A_485 = tpu.memref_slice %arg3[%dma_start3A_483, %dma_start3A_484] : memref<1000000x128xf32, #tpu.memory_space<hbm>> -> memref<1000000x128xf32, #tpu.memory_space<hbm>>
        tpu.enqueue_indirect_dma source(%dma_start3A_485 : memref<1000000x128xf32, #tpu.memory_space<hbm>>) target(%dma_start3A_479 : memref<50x128xf32, #tpu.memory_space<vmem>>) offsets(%dma_start3A_482 : memref<50xi32, #tpu.memory_space<vmem>>) semaphore(%arg8 : memref<!tpu.dma_semaphore, #tpu.memory_space<semaphore_mem>>)
        %mul3A_486 = arith.constant 4 : i32
        %mul3A_487 = arith.muli %add3A_440, %mul3A_486 : i32
        %add3A_488 = arith.constant 3 : i32
        %add3A_489 = arith.addi %mul3A_487, %add3A_488 : i32
        %dma_start3A_490 = arith.constant 3 : i32
        %dma_start3A_491 = arith.constant 0 : i32
        %dma_start3A_492 = arith.constant 0 : i32
        %dma_start3A_493 = tpu.memref_slice %arg6[%dma_start3A_490, %dma_start3A_491, %dma_start3A_492] : memref<4x56x128xf32, #tpu.memory_space<vmem>> -> memref<1x50x128xf32, #tpu.memory_space<vmem>>
        %dma_start3A_494 = tpu.memref_squeeze %dma_start3A_493 : memref<1x50x128xf32, #tpu.memory_space<vmem>> -> memref<50x128xf32, #tpu.memory_space<vmem>>
        %dma_start3A_495 = arith.constant 0 : i32
        %dma_start3A_496 = tpu.memref_slice %arg5[%add3A_489, %dma_start3A_495] : memref<512x50xi32, #tpu.memory_space<vmem>> -> memref<1x50xi32, #tpu.memory_space<vmem>>
        %dma_start3A_497 = tpu.memref_squeeze %dma_start3A_496 : memref<1x50xi32, #tpu.memory_space<vmem>> -> memref<50xi32, #tpu.memory_space<vmem>>
        %dma_start3A_498 = arith.constant 0 : i32
        %dma_start3A_499 = arith.constant 0 : i32
        %dma_start3A_500 = tpu.memref_slice %arg3[%dma_start3A_498, %dma_start3A_499] : memref<1000000x128xf32, #tpu.memory_space<hbm>> -> memref<1000000x128xf32, #tpu.memory_space<hbm>>
        tpu.enqueue_indirect_dma source(%dma_start3A_500 : memref<1000000x128xf32, #tpu.memory_space<hbm>>) target(%dma_start3A_494 : memref<50x128xf32, #tpu.memory_space<vmem>>) offsets(%dma_start3A_497 : memref<50xi32, #tpu.memory_space<vmem>>) semaphore(%arg8 : memref<!tpu.dma_semaphore, #tpu.memory_space<semaphore_mem>>)
      } else {
      }
      %dma_wait3A_303 = arith.constant 0 : i32
      %dma_wait3A_304 = arith.constant 0 : i32
      %dma_wait3A_305 = arith.constant 0 : i32
      %dma_wait3A_306 = arith.constant 0 : i32
      %dma_wait3A_307 = tpu.memref_slice %arg7[%dma_wait3A_304, %dma_wait3A_305, %dma_wait3A_306] : memref<4x56x128xf32, #tpu.memory_space<vmem>> -> memref<1x50x128xf32, #tpu.memory_space<vmem>>
      %dma_wait3A_308 = tpu.memref_squeeze %dma_wait3A_307 : memref<1x50x128xf32, #tpu.memory_space<vmem>> -> memref<50x128xf32, #tpu.memory_space<vmem>>
      %dma_wait3A_309 = arith.constant 0 : i32
      %dma_wait3A_310 = tpu.memref_slice %arg5[%dma_wait3A_303, %dma_wait3A_309] : memref<512x50xi32, #tpu.memory_space<vmem>> -> memref<1x50xi32, #tpu.memory_space<vmem>>
      %dma_wait3A_311 = tpu.memref_squeeze %dma_wait3A_310 : memref<1x50xi32, #tpu.memory_space<vmem>> -> memref<50xi32, #tpu.memory_space<vmem>>
      %dma_wait3A_312 = arith.constant 0 : i32
      %dma_wait3A_313 = arith.constant 0 : i32
      %dma_wait3A_314 = tpu.memref_slice %arg3[%dma_wait3A_312, %dma_wait3A_313] : memref<1000000x128xf32, #tpu.memory_space<hbm>> -> memref<1000000x128xf32, #tpu.memory_space<hbm>>
      tpu.wait_indirect_dma semaphore(%arg8 : memref<!tpu.dma_semaphore, #tpu.memory_space<semaphore_mem>>) src(%dma_wait3A_314 : memref<1000000x128xf32, #tpu.memory_space<hbm>>) dst(%dma_wait3A_308 : memref<50x128xf32, #tpu.memory_space<vmem>>)
      %dma_wait3A_315 = arith.constant 1 : i32
      %dma_wait3A_316 = arith.constant 1 : i32
      %dma_wait3A_317 = arith.constant 0 : i32
      %dma_wait3A_318 = arith.constant 0 : i32
      %dma_wait3A_319 = tpu.memref_slice %arg7[%dma_wait3A_316, %dma_wait3A_317, %dma_wait3A_318] : memref<4x56x128xf32, #tpu.memory_space<vmem>> -> memref<1x50x128xf32, #tpu.memory_space<vmem>>
      %dma_wait3A_320 = tpu.memref_squeeze %dma_wait3A_319 : memref<1x50x128xf32, #tpu.memory_space<vmem>> -> memref<50x128xf32, #tpu.memory_space<vmem>>
      %dma_wait3A_321 = arith.constant 0 : i32
      %dma_wait3A_322 = tpu.memref_slice %arg5[%dma_wait3A_315, %dma_wait3A_321] : memref<512x50xi32, #tpu.memory_space<vmem>> -> memref<1x50xi32, #tpu.memory_space<vmem>>
      %dma_wait3A_323 = tpu.memref_squeeze %dma_wait3A_322 : memref<1x50xi32, #tpu.memory_space<vmem>> -> memref<50xi32, #tpu.memory_space<vmem>>
      %dma_wait3A_324 = arith.constant 0 : i32
      %dma_wait3A_325 = arith.constant 0 : i32
      %dma_wait3A_326 = tpu.memref_slice %arg3[%dma_wait3A_324, %dma_wait3A_325] : memref<1000000x128xf32, #tpu.memory_space<hbm>> -> memref<1000000x128xf32, #tpu.memory_space<hbm>>
      tpu.wait_indirect_dma semaphore(%arg8 : memref<!tpu.dma_semaphore, #tpu.memory_space<semaphore_mem>>) src(%dma_wait3A_326 : memref<1000000x128xf32, #tpu.memory_space<hbm>>) dst(%dma_wait3A_320 : memref<50x128xf32, #tpu.memory_space<vmem>>)
      %dma_wait3A_327 = arith.constant 2 : i32
      %dma_wait3A_328 = arith.constant 2 : i32
      %dma_wait3A_329 = arith.constant 0 : i32
      %dma_wait3A_330 = arith.constant 0 : i32
      %dma_wait3A_331 = tpu.memref_slice %arg7[%dma_wait3A_328, %dma_wait3A_329, %dma_wait3A_330] : memref<4x56x128xf32, #tpu.memory_space<vmem>> -> memref<1x50x128xf32, #tpu.memory_space<vmem>>
      %dma_wait3A_332 = tpu.memref_squeeze %dma_wait3A_331 : memref<1x50x128xf32, #tpu.memory_space<vmem>> -> memref<50x128xf32, #tpu.memory_space<vmem>>
      %dma_wait3A_333 = arith.constant 0 : i32
      %dma_wait3A_334 = tpu.memref_slice %arg5[%dma_wait3A_327, %dma_wait3A_333] : memref<512x50xi32, #tpu.memory_space<vmem>> -> memref<1x50xi32, #tpu.memory_space<vmem>>
      %dma_wait3A_335 = tpu.memref_squeeze %dma_wait3A_334 : memref<1x50xi32, #tpu.memory_space<vmem>> -> memref<50xi32, #tpu.memory_space<vmem>>
      %dma_wait3A_336 = arith.constant 0 : i32
      %dma_wait3A_337 = arith.constant 0 : i32
      %dma_wait3A_338 = tpu.memref_slice %arg3[%dma_wait3A_336, %dma_wait3A_337] : memref<1000000x128xf32, #tpu.memory_space<hbm>> -> memref<1000000x128xf32, #tpu.memory_space<hbm>>
      tpu.wait_indirect_dma semaphore(%arg8 : memref<!tpu.dma_semaphore, #tpu.memory_space<semaphore_mem>>) src(%dma_wait3A_338 : memref<1000000x128xf32, #tpu.memory_space<hbm>>) dst(%dma_wait3A_332 : memref<50x128xf32, #tpu.memory_space<vmem>>)
      %dma_wait3A_339 = arith.constant 3 : i32
      %dma_wait3A_340 = arith.constant 3 : i32
      %dma_wait3A_341 = arith.constant 0 : i32
      %dma_wait3A_342 = arith.constant 0 : i32
      %dma_wait3A_343 = tpu.memref_slice %arg7[%dma_wait3A_340, %dma_wait3A_341, %dma_wait3A_342] : memref<4x56x128xf32, #tpu.memory_space<vmem>> -> memref<1x50x128xf32, #tpu.memory_space<vmem>>
      %dma_wait3A_344 = tpu.memref_squeeze %dma_wait3A_343 : memref<1x50x128xf32, #tpu.memory_space<vmem>> -> memref<50x128xf32, #tpu.memory_space<vmem>>
      %dma_wait3A_345 = arith.constant 0 : i32
      %dma_wait3A_346 = tpu.memref_slice %arg5[%dma_wait3A_339, %dma_wait3A_345] : memref<512x50xi32, #tpu.memory_space<vmem>> -> memref<1x50xi32, #tpu.memory_space<vmem>>
      %dma_wait3A_347 = tpu.memref_squeeze %dma_wait3A_346 : memref<1x50xi32, #tpu.memory_space<vmem>> -> memref<50xi32, #tpu.memory_space<vmem>>
      %dma_wait3A_348 = arith.constant 0 : i32
      %dma_wait3A_349 = arith.constant 0 : i32
      %dma_wait3A_350 = tpu.memref_slice %arg3[%dma_wait3A_348, %dma_wait3A_349] : memref<1000000x128xf32, #tpu.memory_space<hbm>> -> memref<1000000x128xf32, #tpu.memory_space<hbm>>
      tpu.wait_indirect_dma semaphore(%arg8 : memref<!tpu.dma_semaphore, #tpu.memory_space<semaphore_mem>>) src(%dma_wait3A_350 : memref<1000000x128xf32, #tpu.memory_space<hbm>>) dst(%dma_wait3A_344 : memref<50x128xf32, #tpu.memory_space<vmem>>)
      %mul3A_351 = arith.constant 4 : i32
      %mul3A_352 = arith.muli %add3A_290, %mul3A_351 : i32
      %add3A_353 = arith.addi %multiple_of3A, %mul3A_352 : i32
      %add3A_354 = arith.constant 0 : i32
      %add3A_355 = arith.addi %add3A_353, %add3A_354 : i32
      %dma_start3A_356 = arith.constant 0 : i32
      %dma_start3A_357 = arith.constant 0 : i32
      %dma_start3A_358 = arith.constant 0 : i32
      %dma_start3A_359 = tpu.memref_slice %arg7[%dma_start3A_356, %dma_start3A_357, %dma_start3A_358] : memref<4x56x128xf32, #tpu.memory_space<vmem>> -> memref<1x56x128xf32, #tpu.memory_space<vmem>>
      %dma_start3A_360 = tpu.memref_squeeze %dma_start3A_359 : memref<1x56x128xf32, #tpu.memory_space<vmem>> -> memref<56x128xf32, #tpu.memory_space<vmem>>
      %dma_start3A_361 = arith.constant 0 : i32
      %dma_start3A_362 = arith.constant 0 : i32
      %dma_start3A_363 = tpu.memref_slice %arg4[%add3A_355, %dma_start3A_361, %dma_start3A_362] : memref<16384x56x128xf32, #tpu.memory_space<hbm>> -> memref<1x56x128xf32, #tpu.memory_space<hbm>>
      %dma_start3A_364 = tpu.memref_squeeze %dma_start3A_363 : memref<1x56x128xf32, #tpu.memory_space<hbm>> -> memref<56x128xf32, #tpu.memory_space<hbm>>
      %dma_start3A_365 = arith.constant 0 : i32
      %dma_start3A_366 = arith.constant 0 : i32
      %dma_start3A_367 = tpu.memref_slice %arg4[%add3A_355, %dma_start3A_365, %dma_start3A_366] : memref<16384x56x128xf32, #tpu.memory_space<hbm>> -> memref<1x56x128xf32, #tpu.memory_space<hbm>>
      %dma_start3A_368 = tpu.memref_squeeze %dma_start3A_367 : memref<1x56x128xf32, #tpu.memory_space<hbm>> -> memref<56x128xf32, #tpu.memory_space<hbm>>
      %dma_start3A_369 = arith.constant 0 : i32
      %dma_start3A_370 = arith.constant 0 : i32
      %dma_start3A_371 = tpu.memref_slice %arg7[%dma_start3A_356, %dma_start3A_369, %dma_start3A_370] : memref<4x56x128xf32, #tpu.memory_space<vmem>> -> memref<1x56x128xf32, #tpu.memory_space<vmem>>
      %dma_start3A_372 = tpu.memref_squeeze %dma_start3A_371 : memref<1x56x128xf32, #tpu.memory_space<vmem>> -> memref<56x128xf32, #tpu.memory_space<vmem>>
      tpu.enqueue_dma source(%dma_start3A_372 : memref<56x128xf32, #tpu.memory_space<vmem>>) target(%dma_start3A_368 : memref<56x128xf32, #tpu.memory_space<hbm>>) target_semaphore(%arg9 : memref<!tpu.dma_semaphore, #tpu.memory_space<semaphore_mem>>)
      %mul3A_373 = arith.constant 4 : i32
      %mul3A_374 = arith.muli %add3A_290, %mul3A_373 : i32
      %add3A_375 = arith.addi %multiple_of3A, %mul3A_374 : i32
      %add3A_376 = arith.constant 1 : i32
      %add3A_377 = arith.addi %add3A_375, %add3A_376 : i32
      %dma_start3A_378 = arith.constant 1 : i32
      %dma_start3A_379 = arith.constant 0 : i32
      %dma_start3A_380 = arith.constant 0 : i32
      %dma_start3A_381 = tpu.memref_slice %arg7[%dma_start3A_378, %dma_start3A_379, %dma_start3A_380] : memref<4x56x128xf32, #tpu.memory_space<vmem>> -> memref<1x56x128xf32, #tpu.memory_space<vmem>>
      %dma_start3A_382 = tpu.memref_squeeze %dma_start3A_381 : memref<1x56x128xf32, #tpu.memory_space<vmem>> -> memref<56x128xf32, #tpu.memory_space<vmem>>
      %dma_start3A_383 = arith.constant 0 : i32
      %dma_start3A_384 = arith.constant 0 : i32
      %dma_start3A_385 = tpu.memref_slice %arg4[%add3A_377, %dma_start3A_383, %dma_start3A_384] : memref<16384x56x128xf32, #tpu.memory_space<hbm>> -> memref<1x56x128xf32, #tpu.memory_space<hbm>>
      %dma_start3A_386 = tpu.memref_squeeze %dma_start3A_385 : memref<1x56x128xf32, #tpu.memory_space<hbm>> -> memref<56x128xf32, #tpu.memory_space<hbm>>
      %dma_start3A_387 = arith.constant 0 : i32
      %dma_start3A_388 = arith.constant 0 : i32
      %dma_start3A_389 = tpu.memref_slice %arg4[%add3A_377, %dma_start3A_387, %dma_start3A_388] : memref<16384x56x128xf32, #tpu.memory_space<hbm>> -> memref<1x56x128xf32, #tpu.memory_space<hbm>>
      %dma_start3A_390 = tpu.memref_squeeze %dma_start3A_389 : memref<1x56x128xf32, #tpu.memory_space<hbm>> -> memref<56x128xf32, #tpu.memory_space<hbm>>
      %dma_start3A_391 = arith.constant 0 : i32
      %dma_start3A_392 = arith.constant 0 : i32
      %dma_start3A_393 = tpu.memref_slice %arg7[%dma_start3A_378, %dma_start3A_391, %dma_start3A_392] : memref<4x56x128xf32, #tpu.memory_space<vmem>> -> memref<1x56x128xf32, #tpu.memory_space<vmem>>
      %dma_start3A_394 = tpu.memref_squeeze %dma_start3A_393 : memref<1x56x128xf32, #tpu.memory_space<vmem>> -> memref<56x128xf32, #tpu.memory_space<vmem>>
      tpu.enqueue_dma source(%dma_start3A_394 : memref<56x128xf32, #tpu.memory_space<vmem>>) target(%dma_start3A_390 : memref<56x128xf32, #tpu.memory_space<hbm>>) target_semaphore(%arg9 : memref<!tpu.dma_semaphore, #tpu.memory_space<semaphore_mem>>)
      %mul3A_395 = arith.constant 4 : i32
      %mul3A_396 = arith.muli %add3A_290, %mul3A_395 : i32
      %add3A_397 = arith.addi %multiple_of3A, %mul3A_396 : i32
      %add3A_398 = arith.constant 2 : i32
      %add3A_399 = arith.addi %add3A_397, %add3A_398 : i32
      %dma_start3A_400 = arith.constant 2 : i32
      %dma_start3A_401 = arith.constant 0 : i32
      %dma_start3A_402 = arith.constant 0 : i32
      %dma_start3A_403 = tpu.memref_slice %arg7[%dma_start3A_400, %dma_start3A_401, %dma_start3A_402] : memref<4x56x128xf32, #tpu.memory_space<vmem>> -> memref<1x56x128xf32, #tpu.memory_space<vmem>>
      %dma_start3A_404 = tpu.memref_squeeze %dma_start3A_403 : memref<1x56x128xf32, #tpu.memory_space<vmem>> -> memref<56x128xf32, #tpu.memory_space<vmem>>
      %dma_start3A_405 = arith.constant 0 : i32
      %dma_start3A_406 = arith.constant 0 : i32
      %dma_start3A_407 = tpu.memref_slice %arg4[%add3A_399, %dma_start3A_405, %dma_start3A_406] : memref<16384x56x128xf32, #tpu.memory_space<hbm>> -> memref<1x56x128xf32, #tpu.memory_space<hbm>>
      %dma_start3A_408 = tpu.memref_squeeze %dma_start3A_407 : memref<1x56x128xf32, #tpu.memory_space<hbm>> -> memref<56x128xf32, #tpu.memory_space<hbm>>
      %dma_start3A_409 = arith.constant 0 : i32
      %dma_start3A_410 = arith.constant 0 : i32
      %dma_start3A_411 = tpu.memref_slice %arg4[%add3A_399, %dma_start3A_409, %dma_start3A_410] : memref<16384x56x128xf32, #tpu.memory_space<hbm>> -> memref<1x56x128xf32, #tpu.memory_space<hbm>>
      %dma_start3A_412 = tpu.memref_squeeze %dma_start3A_411 : memref<1x56x128xf32, #tpu.memory_space<hbm>> -> memref<56x128xf32, #tpu.memory_space<hbm>>
      %dma_start3A_413 = arith.constant 0 : i32
      %dma_start3A_414 = arith.constant 0 : i32
      %dma_start3A_415 = tpu.memref_slice %arg7[%dma_start3A_400, %dma_start3A_413, %dma_start3A_414] : memref<4x56x128xf32, #tpu.memory_space<vmem>> -> memref<1x56x128xf32, #tpu.memory_space<vmem>>
      %dma_start3A_416 = tpu.memref_squeeze %dma_start3A_415 : memref<1x56x128xf32, #tpu.memory_space<vmem>> -> memref<56x128xf32, #tpu.memory_space<vmem>>
      tpu.enqueue_dma source(%dma_start3A_416 : memref<56x128xf32, #tpu.memory_space<vmem>>) target(%dma_start3A_412 : memref<56x128xf32, #tpu.memory_space<hbm>>) target_semaphore(%arg9 : memref<!tpu.dma_semaphore, #tpu.memory_space<semaphore_mem>>)
      %mul3A_417 = arith.constant 4 : i32
      %mul3A_418 = arith.muli %add3A_290, %mul3A_417 : i32
      %add3A_419 = arith.addi %multiple_of3A, %mul3A_418 : i32
      %add3A_420 = arith.constant 3 : i32
      %add3A_421 = arith.addi %add3A_419, %add3A_420 : i32
      %dma_start3A_422 = arith.constant 3 : i32
      %dma_start3A_423 = arith.constant 0 : i32
      %dma_start3A_424 = arith.constant 0 : i32
      %dma_start3A_425 = tpu.memref_slice %arg7[%dma_start3A_422, %dma_start3A_423, %dma_start3A_424] : memref<4x56x128xf32, #tpu.memory_space<vmem>> -> memref<1x56x128xf32, #tpu.memory_space<vmem>>
      %dma_start3A_426 = tpu.memref_squeeze %dma_start3A_425 : memref<1x56x128xf32, #tpu.memory_space<vmem>> -> memref<56x128xf32, #tpu.memory_space<vmem>>
      %dma_start3A_427 = arith.constant 0 : i32
      %dma_start3A_428 = arith.constant 0 : i32
      %dma_start3A_429 = tpu.memref_slice %arg4[%add3A_421, %dma_start3A_427, %dma_start3A_428] : memref<16384x56x128xf32, #tpu.memory_space<hbm>> -> memref<1x56x128xf32, #tpu.memory_space<hbm>>
      %dma_start3A_430 = tpu.memref_squeeze %dma_start3A_429 : memref<1x56x128xf32, #tpu.memory_space<hbm>> -> memref<56x128xf32, #tpu.memory_space<hbm>>
      %dma_start3A_431 = arith.constant 0 : i32
      %dma_start3A_432 = arith.constant 0 : i32
      %dma_start3A_433 = tpu.memref_slice %arg4[%add3A_421, %dma_start3A_431, %dma_start3A_432] : memref<16384x56x128xf32, #tpu.memory_space<hbm>> -> memref<1x56x128xf32, #tpu.memory_space<hbm>>
      %dma_start3A_434 = tpu.memref_squeeze %dma_start3A_433 : memref<1x56x128xf32, #tpu.memory_space<hbm>> -> memref<56x128xf32, #tpu.memory_space<hbm>>
      %dma_start3A_435 = arith.constant 0 : i32
      %dma_start3A_436 = arith.constant 0 : i32
      %dma_start3A_437 = tpu.memref_slice %arg7[%dma_start3A_422, %dma_start3A_435, %dma_start3A_436] : memref<4x56x128xf32, #tpu.memory_space<vmem>> -> memref<1x56x128xf32, #tpu.memory_space<vmem>>
      %dma_start3A_438 = tpu.memref_squeeze %dma_start3A_437 : memref<1x56x128xf32, #tpu.memory_space<vmem>> -> memref<56x128xf32, #tpu.memory_space<vmem>>
      tpu.enqueue_dma source(%dma_start3A_438 : memref<56x128xf32, #tpu.memory_space<vmem>>) target(%dma_start3A_434 : memref<56x128xf32, #tpu.memory_space<hbm>>) target_semaphore(%arg9 : memref<!tpu.dma_semaphore, #tpu.memory_space<semaphore_mem>>)
    }
    %scan3A_54 = arith.constant 64 : i32
    %add3A_55 = arith.constant 508 : i32
    %add3A_56 = arith.addi %multiple_of3A, %add3A_55 : i32
    %add3A_57 = arith.constant 0 : i32
    %add3A_58 = arith.addi %add3A_56, %add3A_57 : i32
    %dma_wait3A = arith.constant 0 : i32
    %dma_wait3A_59 = arith.constant 0 : i32
    %dma_wait3A_60 = arith.constant 0 : i32
    %dma_wait3A_61 = tpu.memref_slice %arg7[%dma_wait3A, %dma_wait3A_59, %dma_wait3A_60] : memref<4x56x128xf32, #tpu.memory_space<vmem>> -> memref<1x56x128xf32, #tpu.memory_space<vmem>>
    %dma_wait3A_62 = tpu.memref_squeeze %dma_wait3A_61 : memref<1x56x128xf32, #tpu.memory_space<vmem>> -> memref<56x128xf32, #tpu.memory_space<vmem>>
    %dma_wait3A_63 = arith.constant 0 : i32
    %dma_wait3A_64 = arith.constant 0 : i32
    %dma_wait3A_65 = tpu.memref_slice %arg4[%add3A_58, %dma_wait3A_63, %dma_wait3A_64] : memref<16384x56x128xf32, #tpu.memory_space<hbm>> -> memref<1x56x128xf32, #tpu.memory_space<hbm>>
    %dma_wait3A_66 = tpu.memref_squeeze %dma_wait3A_65 : memref<1x56x128xf32, #tpu.memory_space<hbm>> -> memref<56x128xf32, #tpu.memory_space<hbm>>
    %dma_wait3A_67 = arith.constant 0 : i32
    %dma_wait3A_68 = arith.constant 0 : i32
    %dma_wait3A_69 = tpu.memref_slice %arg4[%add3A_58, %dma_wait3A_67, %dma_wait3A_68] : memref<16384x56x128xf32, #tpu.memory_space<hbm>> -> memref<1x56x128xf32, #tpu.memory_space<hbm>>
    %dma_wait3A_70 = tpu.memref_squeeze %dma_wait3A_69 : memref<1x56x128xf32, #tpu.memory_space<hbm>> -> memref<56x128xf32, #tpu.memory_space<hbm>>
    %dma_wait3A_71 = arith.constant 0 : i32
    %dma_wait3A_72 = arith.constant 0 : i32
    %dma_wait3A_73 = tpu.memref_slice %arg7[%dma_wait3A, %dma_wait3A_71, %dma_wait3A_72] : memref<4x56x128xf32, #tpu.memory_space<vmem>> -> memref<1x56x128xf32, #tpu.memory_space<vmem>>
    %dma_wait3A_74 = tpu.memref_squeeze %dma_wait3A_73 : memref<1x56x128xf32, #tpu.memory_space<vmem>> -> memref<56x128xf32, #tpu.memory_space<vmem>>
    tpu.wait_dma2 semaphore(%arg9 : memref<!tpu.dma_semaphore, #tpu.memory_space<semaphore_mem>>) src(%dma_wait3A_74 : memref<56x128xf32, #tpu.memory_space<vmem>>) dst(%dma_wait3A_70 : memref<56x128xf32, #tpu.memory_space<hbm>>)
    %add3A_75 = arith.constant 508 : i32
    %add3A_76 = arith.addi %multiple_of3A, %add3A_75 : i32
    %add3A_77 = arith.constant 1 : i32
    %add3A_78 = arith.addi %add3A_76, %add3A_77 : i32
    %dma_wait3A_79 = arith.constant 1 : i32
    %dma_wait3A_80 = arith.constant 0 : i32
    %dma_wait3A_81 = arith.constant 0 : i32
    %dma_wait3A_82 = tpu.memref_slice %arg7[%dma_wait3A_79, %dma_wait3A_80, %dma_wait3A_81] : memref<4x56x128xf32, #tpu.memory_space<vmem>> -> memref<1x56x128xf32, #tpu.memory_space<vmem>>
    %dma_wait3A_83 = tpu.memref_squeeze %dma_wait3A_82 : memref<1x56x128xf32, #tpu.memory_space<vmem>> -> memref<56x128xf32, #tpu.memory_space<vmem>>
    %dma_wait3A_84 = arith.constant 0 : i32
    %dma_wait3A_85 = arith.constant 0 : i32
    %dma_wait3A_86 = tpu.memref_slice %arg4[%add3A_78, %dma_wait3A_84, %dma_wait3A_85] : memref<16384x56x128xf32, #tpu.memory_space<hbm>> -> memref<1x56x128xf32, #tpu.memory_space<hbm>>
    %dma_wait3A_87 = tpu.memref_squeeze %dma_wait3A_86 : memref<1x56x128xf32, #tpu.memory_space<hbm>> -> memref<56x128xf32, #tpu.memory_space<hbm>>
    %dma_wait3A_88 = arith.constant 0 : i32
    %dma_wait3A_89 = arith.constant 0 : i32
    %dma_wait3A_90 = tpu.memref_slice %arg4[%add3A_78, %dma_wait3A_88, %dma_wait3A_89] : memref<16384x56x128xf32, #tpu.memory_space<hbm>> -> memref<1x56x128xf32, #tpu.memory_space<hbm>>
    %dma_wait3A_91 = tpu.memref_squeeze %dma_wait3A_90 : memref<1x56x128xf32, #tpu.memory_space<hbm>> -> memref<56x128xf32, #tpu.memory_space<hbm>>
    %dma_wait3A_92 = arith.constant 0 : i32
    %dma_wait3A_93 = arith.constant 0 : i32
    %dma_wait3A_94 = tpu.memref_slice %arg7[%dma_wait3A_79, %dma_wait3A_92, %dma_wait3A_93] : memref<4x56x128xf32, #tpu.memory_space<vmem>> -> memref<1x56x128xf32, #tpu.memory_space<vmem>>
    %dma_wait3A_95 = tpu.memref_squeeze %dma_wait3A_94 : memref<1x56x128xf32, #tpu.memory_space<vmem>> -> memref<56x128xf32, #tpu.memory_space<vmem>>
    tpu.wait_dma2 semaphore(%arg9 : memref<!tpu.dma_semaphore, #tpu.memory_space<semaphore_mem>>) src(%dma_wait3A_95 : memref<56x128xf32, #tpu.memory_space<vmem>>) dst(%dma_wait3A_91 : memref<56x128xf32, #tpu.memory_space<hbm>>)
    %add3A_96 = arith.constant 508 : i32
    %add3A_97 = arith.addi %multiple_of3A, %add3A_96 : i32
    %add3A_98 = arith.constant 2 : i32
    %add3A_99 = arith.addi %add3A_97, %add3A_98 : i32
    %dma_wait3A_100 = arith.constant 2 : i32
    %dma_wait3A_101 = arith.constant 0 : i32
    %dma_wait3A_102 = arith.constant 0 : i32
    %dma_wait3A_103 = tpu.memref_slice %arg7[%dma_wait3A_100, %dma_wait3A_101, %dma_wait3A_102] : memref<4x56x128xf32, #tpu.memory_space<vmem>> -> memref<1x56x128xf32, #tpu.memory_space<vmem>>
    %dma_wait3A_104 = tpu.memref_squeeze %dma_wait3A_103 : memref<1x56x128xf32, #tpu.memory_space<vmem>> -> memref<56x128xf32, #tpu.memory_space<vmem>>
    %dma_wait3A_105 = arith.constant 0 : i32
    %dma_wait3A_106 = arith.constant 0 : i32
    %dma_wait3A_107 = tpu.memref_slice %arg4[%add3A_99, %dma_wait3A_105, %dma_wait3A_106] : memref<16384x56x128xf32, #tpu.memory_space<hbm>> -> memref<1x56x128xf32, #tpu.memory_space<hbm>>
    %dma_wait3A_108 = tpu.memref_squeeze %dma_wait3A_107 : memref<1x56x128xf32, #tpu.memory_space<hbm>> -> memref<56x128xf32, #tpu.memory_space<hbm>>
    %dma_wait3A_109 = arith.constant 0 : i32
    %dma_wait3A_110 = arith.constant 0 : i32
    %dma_wait3A_111 = tpu.memref_slice %arg4[%add3A_99, %dma_wait3A_109, %dma_wait3A_110] : memref<16384x56x128xf32, #tpu.memory_space<hbm>> -> memref<1x56x128xf32, #tpu.memory_space<hbm>>
    %dma_wait3A_112 = tpu.memref_squeeze %dma_wait3A_111 : memref<1x56x128xf32, #tpu.memory_space<hbm>> -> memref<56x128xf32, #tpu.memory_space<hbm>>
    %dma_wait3A_113 = arith.constant 0 : i32
    %dma_wait3A_114 = arith.constant 0 : i32
    %dma_wait3A_115 = tpu.memref_slice %arg7[%dma_wait3A_100, %dma_wait3A_113, %dma_wait3A_114] : memref<4x56x128xf32, #tpu.memory_space<vmem>> -> memref<1x56x128xf32, #tpu.memory_space<vmem>>
    %dma_wait3A_116 = tpu.memref_squeeze %dma_wait3A_115 : memref<1x56x128xf32, #tpu.memory_space<vmem>> -> memref<56x128xf32, #tpu.memory_space<vmem>>
    tpu.wait_dma2 semaphore(%arg9 : memref<!tpu.dma_semaphore, #tpu.memory_space<semaphore_mem>>) src(%dma_wait3A_116 : memref<56x128xf32, #tpu.memory_space<vmem>>) dst(%dma_wait3A_112 : memref<56x128xf32, #tpu.memory_space<hbm>>)
    %add3A_117 = arith.constant 508 : i32
    %add3A_118 = arith.addi %multiple_of3A, %add3A_117 : i32
    %add3A_119 = arith.constant 3 : i32
    %add3A_120 = arith.addi %add3A_118, %add3A_119 : i32
    %dma_wait3A_121 = arith.constant 3 : i32
    %dma_wait3A_122 = arith.constant 0 : i32
    %dma_wait3A_123 = arith.constant 0 : i32
    %dma_wait3A_124 = tpu.memref_slice %arg7[%dma_wait3A_121, %dma_wait3A_122, %dma_wait3A_123] : memref<4x56x128xf32, #tpu.memory_space<vmem>> -> memref<1x56x128xf32, #tpu.memory_space<vmem>>
    %dma_wait3A_125 = tpu.memref_squeeze %dma_wait3A_124 : memref<1x56x128xf32, #tpu.memory_space<vmem>> -> memref<56x128xf32, #tpu.memory_space<vmem>>
    %dma_wait3A_126 = arith.constant 0 : i32
    %dma_wait3A_127 = arith.constant 0 : i32
    %dma_wait3A_128 = tpu.memref_slice %arg4[%add3A_120, %dma_wait3A_126, %dma_wait3A_127] : memref<16384x56x128xf32, #tpu.memory_space<hbm>> -> memref<1x56x128xf32, #tpu.memory_space<hbm>>
    %dma_wait3A_129 = tpu.memref_squeeze %dma_wait3A_128 : memref<1x56x128xf32, #tpu.memory_space<hbm>> -> memref<56x128xf32, #tpu.memory_space<hbm>>
    %dma_wait3A_130 = arith.constant 0 : i32
    %dma_wait3A_131 = arith.constant 0 : i32
    %dma_wait3A_132 = tpu.memref_slice %arg4[%add3A_120, %dma_wait3A_130, %dma_wait3A_131] : memref<16384x56x128xf32, #tpu.memory_space<hbm>> -> memref<1x56x128xf32, #tpu.memory_space<hbm>>
    %dma_wait3A_133 = tpu.memref_squeeze %dma_wait3A_132 : memref<1x56x128xf32, #tpu.memory_space<hbm>> -> memref<56x128xf32, #tpu.memory_space<hbm>>
    %dma_wait3A_134 = arith.constant 0 : i32
    %dma_wait3A_135 = arith.constant 0 : i32
    %dma_wait3A_136 = tpu.memref_slice %arg7[%dma_wait3A_121, %dma_wait3A_134, %dma_wait3A_135] : memref<4x56x128xf32, #tpu.memory_space<vmem>> -> memref<1x56x128xf32, #tpu.memory_space<vmem>>
    %dma_wait3A_137 = tpu.memref_squeeze %dma_wait3A_136 : memref<1x56x128xf32, #tpu.memory_space<vmem>> -> memref<56x128xf32, #tpu.memory_space<vmem>>
    tpu.wait_dma2 semaphore(%arg9 : memref<!tpu.dma_semaphore, #tpu.memory_space<semaphore_mem>>) src(%dma_wait3A_137 : memref<56x128xf32, #tpu.memory_space<vmem>>) dst(%dma_wait3A_133 : memref<56x128xf32, #tpu.memory_space<hbm>>)
    return
  }
}

</mosaic_0001>

<sc_bundles>
// kernel: kernel.3.cloned.1.call-start
scs
__scs_entry_jumppad:
0x0: {  	(pc) =	sbr.rel $0x88, $3  }
0x1: {  	(tag) =	ssettag $0x0;
	lr =	simm.s32 $0x1  }
0x2: {  	[smem:$0x3F9F] =	sst lr;
	_ =	strace $0xD0000000  }
0x3: {  	_ = 	snop  }
0x4: {  	_ = 	snop  }
0x5: {  	_ = 	snop  }
0x6: {  	_ = 	snop  }
0x7: {  	_ = 	snop  }
__scs_overlays_trampoline_lowered:
0x8: {  	[smem:$0x3FAE] =	sst s0  }
0x9: {  	[smem:$0x3FAF] =	sst s1  }
0xa: {  	[smem:$0x3FB0] =	sst s2  }
0xb: {  	[smem:$0x3FB1] =	sst s3  }
0xc: {  	[smem:$0x3FB2] =	sst s4  }
0xd: {  	[smem:$0x3FB3] =	sst s5  }
0xe: {  	[smem:$0x3FB4] =	sst s6  }
0xf: {  	[smem:$0x3FB5] =	sst s7  }
0x10: {  	[smem:$0x3FB6] =	sst s8  }
0x11: {  	[smem:$0x3FB7] =	sst s9;
	s0 =	simm.s32 @!p0 $0x0  }
0x12: {  	s1 =	sld [smem:$0x3F9D];
	s0 =	simm.s32 @p0 $0x1  }
0x13: {  	[smem:$0x3FB8] =	sst s0;
	s0 =	simm.s32 @!p1 $0x0  }
0x14: {  	s2 =	sld [smem:$0x3F9C];
	s0 =	simm.s32 @p1 $0x1  }
0x15: {  	[smem:$0x3FB9] =	sst s0;
	s0 =	simm.s32 @!p2 $0x0  }
0x16: {  	s3 =	sld [smem:$0x3FDB];
	s0 =	simm.s32 @p2 $0x1  }
0x17: {  	s4 =	simm.s32 $0x1BF5;
	[smem:$0x3FBB] =	sst s0  }
0x18: {  	s0 =	sld [smem:$0x3F9E];
	_ =	swait.ge [sflag:s4], $0x0  }
0x19: {  	s7 =	sld [smem:$0x3F9F]  }
0x1a: {  	s8 =	sadd.s32 $0xFFFFE003, lr  }
0x1b: {  	s9 =	sadd.s32 $0xFFFFFEF7, lr;
	s5 =	simm.s32 $0xFFFFFFFF;
	p2 =	slt.u32 s8, $0xFFFFF086  }
0x1c: {  	p1 =	slt.u32 s9, $0xF7A;
	s5 =	simm.s32 @!p2 $0x0  }
0x1d: {  	s5 =	simm.s32 @p1 $0x1;
	p0 =	seq.s32 s7, s2  }
0x1e: {  	s7 =	smul.u32 @!p0 $0xF7A, s2;
	p2 =	seq.s32 @!p0 s5, $0x0  }
0x1f: {  	s9 =	smul.u32 $0xF7A, s1;
	s8 =	simm.s32 @!p0 $0x1BF5;
	p2 =	por !p2, p0  }
0x20: {  	[sflag:s8] =	ssyncset.s32 @!p0 $0xFFFFF086;
	s6 =	sadd.s32 @!p0 s3, s7;
	s7 =	simm.s32 @!p0 $0x108  }
0x21: {  	s3 =	sadd.s32 s3, s9;
	s6 =	sadd.s32 @!p0 $0x88, s6;
	s7 =	simm.s32 @p2 $0x1082  }
0x22: {  	[simem:s7], [sflag:s8] =	dma.local @!p0 [hbm:s6], $0xF7A  }
0x23: {  	s9 =	sor.u32 $0xD0000000, s2;
	s6 =	simm.s32 $0x108;
	_ =	swait.ge @!p0 [sflag:s8], $0x0  }
0x24: {  	s3 =	sadd.s32 $0x88, s3;
	s6 =	simm.s32 @!p1 $0x1082;
	[sflag:s4] =	ssyncset.s32 $0xFFFFF086  }
0x25: {  	[simem:s6], [sflag:s4] =	dma.local [hbm:s3], $0xF7A  }
0x26: {  	[smem:$0x3F9F] =	sst s1;
	(tag) =	ssettag s2;
	_ =	strace s9  }
0x27: {  	s1 =	sld [smem:$0x3FAF]  }
0x28: {  	s2 =	sld [smem:$0x3FB0]  }
0x29: {  	s4 =	sld [smem:$0x3FB2]  }
0x2a: {  	p0 =	seq.s32 s5, $0x0;
	s5 =	sld [smem:$0x3FB3]  }
0x2b: {  	s6 =	sld [smem:$0x3FB4]  }
0x2c: {  	s7 =	sld [smem:$0x3FB5]  }
0x2d: {  	s3 =	simm.s32 $0x108;
	s8 =	sld [smem:$0x3FB6]  }
0x2e: {  	s3 =	simm.s32 @!p0 $0x1082;
	s9 =	sld [smem:$0x3FB7]  }
0x2f: {  	lr =	sadd.s32 s0, s3;
	s0 =	sld [smem:$0x3FAE]  }
0x30: {  	s3 =	sld [smem:$0x3FB1]  }
0x31: {  	[smem:$0x3FBA] =	sst s10  }
0x32: {  	s10 =	sld [smem:$0x3FB8];
	_ =	sdelay $0x3  }
0x33: {  	p0 =	seq.s32 s10, $0x1;
	s10 =	sld [smem:$0x3FBA];
	_ =	sdelay $0x3  }
0x34: {  	[smem:$0x3FBA] =	sst s10  }
0x35: {  	s10 =	sld [smem:$0x3FB9];
	_ =	sdelay $0x3  }
0x36: {  	p1 =	seq.s32 s10, $0x1;
	s10 =	sld [smem:$0x3FBA];
	_ =	sdelay $0x3  }
0x37: {  	[smem:$0x3FBA] =	sst s10  }
0x38: {  	s10 =	sld [smem:$0x3FBB]  }
0x39: {  	_ = 	snop;
	(pc) =	sbr.ind lr, $3  }
0x3a: {  	_ = 	snop  }
0x3b: {  	_ = 	snop  }
0x3c: {  	p2 =	seq.s32 s10, $0x1;
	s10 =	sld [smem:$0x3FBA]  }
0x3d: {  	_ =	shalt  }
0x3e: {  	_ =	shalt  }
0x3f: {  	_ =	shalt  }
0x40: {  	_ =	shalt  }
0x41: {  	_ =	shalt  }
0x42: {  	_ =	shalt  }
0x43: {  	_ =	shalt  }
0x44: {  	_ =	shalt  }
0x45: {  	_ =	shalt  }
0x46: {  	_ =	shalt  }
0x47: {  	_ =	shalt  }
0x48: {  	_ =	shalt  }
0x49: {  	_ =	shalt  }
0x4a: {  	_ =	shalt  }
0x4b: {  	_ =	shalt  }
0x4c: {  	_ =	shalt  }
0x4d: {  	_ =	shalt  }
0x4e: {  	_ =	shalt  }
0x4f: {  	_ =	shalt  }
0x50: {  	_ =	shalt  }
0x51: {  	_ =	shalt  }
0x52: {  	_ =	shalt  }
0x53: {  	_ =	shalt  }
0x54: {  	_ =	shalt  }
0x55: {  	_ =	shalt  }
0x56: {  	_ =	shalt  }
0x57: {  	_ =	shalt  }
0x58: {  	_ =	shalt  }
0x59: {  	_ =	shalt  }
0x5a: {  	_ =	shalt  }
0x5b: {  	_ =	shalt  }
0x5c: {  	_ =	shalt  }
0x5d: {  	_ =	shalt  }
0x5e: {  	_ =	shalt  }
0x5f: {  	_ =	shalt  }
0x60: {  	_ =	shalt  }
0x61: {  	_ =	shalt  }
0x62: {  	_ =	shalt  }
0x63: {  	_ =	shalt  }
0x64: {  	_ =	shalt  }
0x65: {  	_ =	shalt  }
0x66: {  	_ =	shalt  }
0x67: {  	_ =	shalt  }
0x68: {  	_ =	shalt  }
0x69: {  	_ =	shalt  }
0x6a: {  	_ =	shalt  }
0x6b: {  	_ =	shalt  }
0x6c: {  	_ =	shalt  }
0x6d: {  	_ =	shalt  }
0x6e: {  	_ =	shalt  }
0x6f: {  	_ =	shalt  }
0x70: {  	_ =	shalt  }
0x71: {  	_ =	shalt  }
0x72: {  	_ =	shalt  }
0x73: {  	_ =	shalt  }
0x74: {  	_ =	shalt  }
0x75: {  	_ =	shalt  }
0x76: {  	_ =	shalt  }
0x77: {  	_ =	shalt  }
0x78: {  	_ =	shalt  }
0x79: {  	_ =	shalt  }
0x7a: {  	_ =	shalt  }
0x7b: {  	_ =	shalt  }
0x7c: {  	_ =	shalt  }
0x7d: {  	_ =	shalt  }
0x7e: {  	_ =	shalt  }
0x7f: {  	_ =	shalt  }
0x80: {  	_ =	shalt  }
0x81: {  	_ =	shalt  }
0x82: {  	_ =	shalt  }
0x83: {  	_ =	shalt  }
0x84: {  	_ =	shalt  }
0x85: {  	_ =	shalt  }
0x86: {  	_ =	shalt  }
0x87: {  	_ =	shalt  }
.Lfunc_end0:
.L_simem_size_0:
called_computation.1_lowered:
.L_overlay_start_0:
0x88: {  	s2 =	sld [smem:$0x3FD9]  }
0x89: {  	s3 =	sld [smem:$0x3FFE];
	_ =	sdelay $0x1  }
0x8a: {  	s1 =	srdreg.scid  }
0x8b: {  	s0 =	sand.u32 $0x1, s1  }
0x8c: {  	s17 =	sshll.u32 s0, $0xA;
	s2 =	sadd.s32 s3, s2  }
0x8d: {  	s2 =	sadd.s32 s2, s17  }
0x8e: {  	[smem:$0x3FC6] =	sst s2  }
0x8f: {  	_ = 	snop  }
0x90: {  	s2 =	sld [smem:$0x3FD0];
	(tm) =	ssettm $0x1  }
0x91: {  	s18 =	sld [smem:$0x3FFB];
	_ =	sdelay $0x3  }
0x92: {  	_ =	strace s18  }
0x93: {  	s3 =	sld [smem:$0x3FFC];
	_ =	sdelay $0x3  }
0x94: {  	_ =	strace s3  }
0x95: {  	s3 =	sld [smem:$0x3FFD];
	_ =	sdelay $0x3  }
0x96: {  	_ =	strace s3  }
0x97: {  	_ =	strace $0x8FFFFFFF  }
0x98: {  	s19 =	sld [smem:$0x3FDB];
	_ =	sdelay $0x1  }
0x99: {  	s4 =	simm.s32 $_scs_section_size  }
0x9a: {  	s5 =	simm.s32 $_size__tile_overlayer_lowered;
	s6 =	simm.s32 $_tile_overlayer_lowered  }
0x9b: {  	s22 =	simm.s32 $0x1BFF;
	s21 =	sshll.u32 s6, $0x1;
	s3 =	sadd.s32 s4, s19  }
0x9c: {  	s7 =	simm.s32 $0x0;
	s20 =	sshll.u32 s5, $0x1;
	s5 =	sadd.s32 s21, s3  }
0x9d: {  	[timem:s7], [sflag:s22] =	dma.local [hbm:s5], s20  }
0x9e: {  	_ =	swait.ge [sflag:s22], s20  }
0x9f: {  	s4 =	ssub.s32 $0x0, s20;
	[sflag:s22] =	ssyncset.done $0x0  }
0xa0: {  	[sflag:s22] =	ssyncadd.s32 s4;
	_ =	sdelay $0x1  }
0xa1: {  	s23 =	simm.s32 $0x1B8B  }
0xa2: {  	_ =	swait.ge [sflag:s23], $0x1  }
0xa3: {  	[sflag:s23] =	ssyncset.done $0x0  }
0xa4: {  	s25 =	simm.s32 $0x1B8E;
	s24 =	sld [smem:$0x3FFE];
	[sflag:s23] =	ssyncadd.s32 $0xFFFFFFFF  }
0xa5: {  	s26 =	simm.s32 $execute0_lowered;
	[smem:$0x3FD2] =	sst s25  }
0xa6: {  	s5 =	sshll.u32 s26, $0x1;
	_ =	strace $0x80000046;
	[dreg:$0x1] =	wrdreg $0xFFFFFFFF  }
0xa7: {  	s28 =	simm.s32 $_size_execute0_lowered;
	s3 =	sadd.s32 s3, s5;
	[dreg:$0x0] =	wrdreg $0x0  }
0xa8: {  	s5 =	sshll.u32 s28, $0x1;
	[dreg:$0x2] =	wrdreg s3  }
0xa9: {  	[dreg:$0x3] =	wrdreg s5  }
0xaa: {  	[dreg:$0x4] =	wrdreg $0xC0  }
0xab: {  	_ =	task [dreg:s7], $0x5FFFF  }
0xac: {  	[dreg:$0x1] =	wrdreg $0xFFFFFFFF  }
0xad: {  	[dreg:$0x0] =	wrdreg $0x60  }
0xae: {  	[dreg:$0x2] =	wrdreg s2  }
0xaf: {  	[dreg:$0x3] =	wrdreg s24  }
0xb0: {  	[dreg:$0x4] =	wrdreg $0x9  }
0xb1: {  	_ =	task.clear_ibuf [dreg:s7], $0x5FFFF;
	_ =	strace $0x90000046  }
0xb2: {  	s29 =	simm.s32 $0x9;
	_ =	strace $0x80000048  }
0xb3: {  	_ =	swait.ge [sflag:s29], $0x1  }
0xb4: {  	[sflag:s29] =	ssyncadd.s32 $0xFFFFFFFF  }
0xb5: {  	_ =	strace $0x90000048  }
0xb6: {  	_ =	sfence  }
0xb7: {  	s30 =	sld [smem:$0x0];
	_ =	sdelay $0x2  }
0xb8: {  	s31 =	sshll.u32 s1, $0xD;
	s1 =	sshrl.u32 s1, $0x2  }
0xb9: {  	s3 =	sand.u32 $0x4000, s31;
	s1 =	sadd.s32 s1, s30  }
0xba: {  	s0 =	sor.u32 s3, s0;
	s1 =	sshll.u32 s1, $0x11  }
0xbb: {  	s0 =	sor.u32 s1, s0  }
0xbc: {  	s0 =	sadd.s32 $0x8F2B, s0  }
0xbd: {  	[sflag:s0] =	ssyncadd.remote.s32 $0x1  }
0xbe: {  	_ =	sfence.sel $0xFFFF  }
0xbf: {  	[dreg:$0x0] =	wrdreg $0xFFFFFFFF;
	(pc) =	sbr.abs _section_cstart, $3  }
0xc0: {  	[dreg:$0x1] =	wrdreg $0xFFFFFFFF  }
0xc1: {  	_ =	task.clear_ibuf [dreg:s7], $0x2FFFF;
	_ =	strace $0x9FFFFFFF  }
0xc2: {  	(tm) =	ssettm $0x7FFFFFFF  }
0xc3: {  	_ =	shalt  }
tec
execute0_lowered:
.L_overlay_start_1:
0x0: {  	(tag) =	ssettag $0x1  }
0x1: {  	s5 =	rddreg [dreg:$0x0]  }
0x2: {  	s4 =	rddreg [dreg:$0x1]  }
0x3: {  	s2 =	simm.s32 $0x0;
	s1 =	srdreg.scid;
	s14 =	simm.s32 $0x180  }
0x4: {  	s15 =	simm.s32 $0x15400;
	s16 =	simm.s32 $0x17000;
	s17 =	simm.s32 $0x18C00  }
0x5: {  	s18 =	simm.s32 $0x1A800;
	s19 =	simm.s32 $0x1C400;
	s20 =	simm.s32 $0x1  }
0x6: {  	s21 =	simm.s32 $0x2;
	[smem:$0x7FF] =	sst s2;
	s6 =	sand.u32 $0x1, s1  }
0x7: {  	s22 =	simm.s32 $0x0;
	s1 =	stileid.u32;
	s7 =	smul.u32 $0x3800000, s6  }
0x8: {  	s3 =	sadd.s32 $0xF42E00, s4;
	s4 =	sadd.s32 $0xA00, s4;
	s9 =	smul.u32 $0x380000, s1  }
0x9: {  	s8 =	ssub.s32 $0x2, s6;
	s25 =	sshll.u32 s6, $0x11;
	s6 =	smul.u32 $0x700000, s6  }
0xa: {  	_ =	strace $0x80000047;
	s13 =	smul.u32 $0x70000, s1;
	s10 =	sshrl.u32 s8, $0x1  }
0xb: {  	s24 =	sshll.u32 s1, $0xD;
	s8 =	ssub.s32 s8, s10;
	s7 =	sadd.s32 s9, s7  }
0xc: {  	s9 =	sor.u32 s24, s25;
	s6 =	sadd.s32 s13, s6;
	s10 =	simm.s32 $0x80  }
0xd: {  	s13 =	simm.s32 $0x13800;
	s11 =	sor.u32 $0x5400, s7;
	s12 =	sor.u32 $0x3800, s7  }
0xe: {  	s28 =	sor.u32 $0xC400, s7;
	[dreg:$0x5] =	wrdreg s6;
	s30 =	sor.u32 $0xA800, s7  }
0xf: {  	s7 =	sor.u32 $0x8C00, s7;
	s5 =	sadd.s32 s5, s9;
	s11 =	sshrl.u32 s11, $0x3  }
0x10: {  	s6 =	smax.u32 s8, $0x1;
	s26 =	sshrl.u32 s12, $0x3;
	[dreg:$0x3] =	wrdreg s11  }
0x11: {  	s8 =	simm.s32 $0x32;
	s29 =	sshrl.u32 s28, $0x3;
	[dreg:$0x4] =	wrdreg s26  }
0x12: {  	s9 =	simm.s32 $0x10000;
	s31 =	sshrl.u32 s30, $0x3;
	[dreg:$0x6] =	wrdreg s29  }
0x13: {  	s7 =	sshrl.u32 s7, $0x3;
	s12 =	simm.s32 $0x100;
	[dreg:$0x7] =	wrdreg s31  }
0x14: {  	[dreg:$0x8] =	wrdreg s7;
	s7 =	simm.s32 $0x3;
	s11 =	simm.s32 $0x11C00  }
.LBB2_1:
0x15: {  	[tilespmem:s2], [sflag:$0x3] =	stream.linear.gather [hbm4b:s5+s2], $0x10000, $0x38;
	[tilespmem:$0x1E000] =	vst v63  }
0x16: {  	_ =	swait.ge [sflag:s7], $0x10000  }
0x17: {  	[sflag:s7] =	ssyncset.done $0x0  }
0x18: {  	[sflag:s7] =	ssyncadd.s32 $0xFFFF0000  }
0x19: {  	[tilespmem:s9], [sflag:$0x1] =	stream.indirect.gather [hbm4b:s3+s8], $0x80, s2, s8, $0xb8;
	[tilespmem:$0x1E000] =	vst v63  }
0x1a: {  	p0 =	por $0x1, $0x1  }
0x1b: {  	[tilespmem:s11], [sflag:$0x1] =	stream.indirect.gather [hbm4b:s3+s8], $0x80, s10, s8, $0xb8;
	[tilespmem:$0x1E000] =	vst v63  }
0x1c: {  	p0 =	por p0, p0  }
0x1d: {  	[tilespmem:s13], [sflag:$0x1] =	stream.indirect.gather [hbm4b:s3+s8], $0x80, s12, s8, $0xb8;
	[tilespmem:$0x1E000] =	vst v63  }
0x1e: {  	s23 =	simm.s32 @!p0 $0x2  }
0x1f: {  	[tilespmem:s15], [sflag:$0x1] =	stream.indirect.gather [hbm4b:s3+s8], $0x80, s14, s8, $0xb8;
	[tilespmem:$0x1E000] =	vst v63  }
0x20: {  	_ =	swait.ge @!p0 [sflag:s23], $0x1C00  }
0x21: {  	[sflag:s23] =	ssyncset.done @!p0 $0x0  }
0x22: {  	[sflag:s23] =	ssyncadd.s32 @!p0 $0xFFFFE400  }
0x23: {  	_ =	swait.ge @!p0 [sflag:s23], $0x1C00  }
0x24: {  	[sflag:s23] =	ssyncset.done @!p0 $0x0  }
0x25: {  	[sflag:s23] =	ssyncadd.s32 @!p0 $0xFFFFE400  }
0x26: {  	_ =	swait.ge @!p0 [sflag:s23], $0x1C00  }
0x27: {  	[sflag:s23] =	ssyncset.done @!p0 $0x0  }
0x28: {  	[sflag:s23] =	ssyncadd.s32 @!p0 $0xFFFFE400  }
0x29: {  	_ =	swait.ge @!p0 [sflag:s23], $0x1C00  }
0x2a: {  	[sflag:s23] =	ssyncset.done @!p0 $0x0  }
0x2b: {  	s29 =	simm.s32 $0x200;
	[sflag:s23] =	ssyncadd.s32 @!p0 $0xFFFFE400  }
0x2c: {  	[tilespmem:s16], [sflag:$0x1] =	stream.indirect.gather [hbm4b:s3+s8], $0x80, s29, s8, $0xb8;
	[tilespmem:$0x1E000] =	vst v63  }
0x2d: {  	s30 =	simm.s32 $0x280  }
0x2e: {  	[tilespmem:s17], [sflag:$0x1] =	stream.indirect.gather [hbm4b:s3+s8], $0x80, s30, s8, $0xb8;
	[tilespmem:$0x1E000] =	vst v63  }
0x2f: {  	s31 =	simm.s32 $0x300  }
0x30: {  	[tilespmem:s18], [sflag:$0x1] =	stream.indirect.gather [hbm4b:s3+s8], $0x80, s31, s8, $0xb8;
	[tilespmem:$0x1E000] =	vst v63  }
0x31: {  	s0 =	simm.s32 $0x380  }
0x32: {  	[tilespmem:s19], [sflag:$0x1] =	stream.indirect.gather [hbm4b:s3+s8], $0x80, s0, s8, $0xb8;
	[tilespmem:$0x1E000] =	vst v63  }
0x33: {  	_ =	swait.ge [sflag:s20], $0x1900  }
0x34: {  	[sflag:s20] =	ssyncset.done $0x0  }
0x35: {  	[sflag:s20] =	ssyncadd.s32 $0xFFFFE700  }
0x36: {  	_ =	swait.ge [sflag:s20], $0x1900  }
0x37: {  	[sflag:s20] =	ssyncset.done $0x0  }
0x38: {  	[sflag:s20] =	ssyncadd.s32 $0xFFFFE700  }
0x39: {  	_ =	swait.ge [sflag:s20], $0x1900  }
0x3a: {  	[sflag:s20] =	ssyncset.done $0x0  }
0x3b: {  	[sflag:s20] =	ssyncadd.s32 $0xFFFFE700  }
0x3c: {  	_ =	swait.ge [sflag:s20], $0x1900  }
0x3d: {  	s24 =	rddreg [dreg:$0x5];
	[sflag:s20] =	ssyncset.done $0x0  }
0x3e: {  	[sflag:s20] =	ssyncadd.s32 $0xFFFFE700;
	s23 =	sadd.s32 s4, s24  }
0x3f: {  	[hbm4b:s23+s2] =	stream.linear.scatter [tilespmem:s9], [sflag:$0x2], $0x1C00, $0x38;
	[tilespmem:$0x1E000] =	vst v63  }
0x40: {  	s24 =	rddreg [dreg:$0x4];
	s25 =	sadd.s32 $0x380, s23  }
0x41: {  	[hbm4b:s25+s2] =	stream.linear.scatter [tilespmem:s11], [sflag:$0x2], $0x1C00, $0x38;
	[tilespmem:$0x1E000] =	vst v63  }
0x42: {  	s26 =	rddreg [dreg:$0x3];
	s24 =	sadd.s32 s4, s24  }
0x43: {  	[hbm4b:s24+s2] =	stream.linear.scatter [tilespmem:s13], [sflag:$0x2], $0x1C00, $0x38;
	[tilespmem:$0x1E000] =	vst v63  }
0x44: {  	s25 =	sadd.s32 s4, s26  }
0x45: {  	[hbm4b:s25+s2] =	stream.linear.scatter [tilespmem:s15], [sflag:$0x2], $0x1C00, $0x38;
	[tilespmem:$0x1E000] =	vst v63  }
0x46: {  	_ =	swait.ge [sflag:s21], $0x1C00  }
0x47: {  	[sflag:s21] =	ssyncset.done $0x0  }
0x48: {  	[sflag:s21] =	ssyncadd.s32 $0xFFFFE400  }
0x49: {  	_ =	swait.ge [sflag:s21], $0x1C00  }
0x4a: {  	[sflag:s21] =	ssyncset.done $0x0  }
0x4b: {  	[sflag:s21] =	ssyncadd.s32 $0xFFFFE400  }
0x4c: {  	_ =	swait.ge [sflag:s21], $0x1C00  }
0x4d: {  	[sflag:s21] =	ssyncset.done $0x0  }
0x4e: {  	[sflag:s21] =	ssyncadd.s32 $0xFFFFE400  }
0x4f: {  	p0 =	por $0x0, $0x0;
	_ =	swait.ge [sflag:s21], $0x1C00  }
0x50: {  	s26 =	simm.s32 @!p0 $0x32;
	[sflag:s21] =	ssyncset.done $0x0  }
0x51: {  	s24 =	simm.s32 @!p0 $0x10000;
	s25 =	simm.s32 @!p0 $0x400;
	[sflag:s21] =	ssyncadd.s32 $0xFFFFE400  }
0x52: {  	[tilespmem:s24], [sflag:$0x1] =	stream.indirect.gather @!p0 [hbm4b:s3+s26], $0x80, s25, s26, $0xb8;
	[tilespmem:$0x1E000] =	vst v63  }
0x53: {  	s24 =	simm.s32 @!p0 $0x480;
	s25 =	simm.s32 @!p0 $0x11C00  }
0x54: {  	[tilespmem:s25], [sflag:$0x1] =	stream.indirect.gather @!p0 [hbm4b:s3+s26], $0x80, s24, s26, $0xb8;
	[tilespmem:$0x1E000] =	vst v63  }
0x55: {  	s24 =	simm.s32 @!p0 $0x500;
	s25 =	simm.s32 @!p0 $0x13800  }
0x56: {  	[tilespmem:s25], [sflag:$0x1] =	stream.indirect.gather @!p0 [hbm4b:s3+s26], $0x80, s24, s26, $0xb8;
	[tilespmem:$0x1E000] =	vst v63  }
0x57: {  	s24 =	simm.s32 @!p0 $0x580;
	s25 =	simm.s32 @!p0 $0x15400  }
0x58: {  	[tilespmem:s25], [sflag:$0x1] =	stream.indirect.gather @!p0 [hbm4b:s3+s26], $0x80, s24, s26, $0xb8;
	[tilespmem:$0x1E000] =	vst v63  }
0x59: {  	_ =	swait.ge [sflag:s20], $0x1900  }
0x5a: {  	[sflag:s20] =	ssyncset.done $0x0  }
0x5b: {  	[sflag:s20] =	ssyncadd.s32 $0xFFFFE700  }
0x5c: {  	_ =	swait.ge [sflag:s20], $0x1900  }
0x5d: {  	[sflag:s20] =	ssyncset.done $0x0  }
0x5e: {  	[sflag:s20] =	ssyncadd.s32 $0xFFFFE700  }
0x5f: {  	_ =	swait.ge [sflag:s20], $0x1900  }
0x60: {  	[sflag:s20] =	ssyncset.done $0x0  }
0x61: {  	[sflag:s20] =	ssyncadd.s32 $0xFFFFE700  }
0x62: {  	p6 =	por $0x0, $0x0;
	s23 =	sadd.s32 $0xE00, s23;
	_ =	swait.ge [sflag:s20], $0x1900  }
0x63: {  	s24 =	simm.s32 $0x1000;
	[sflag:s20] =	ssyncset.done $0x0;
	s26 =	rddreg [dreg:$0x8]  }
0x64: {  	s25 =	simm.s32 $0x2000;
	s28 =	rddreg [dreg:$0x7];
	[sflag:s20] =	ssyncadd.s32 $0xFFFFE700  }
0x65: {  	[hbm4b:s23+s2] =	stream.linear.scatter [tilespmem:s16], [sflag:$0x2], $0x1C00, $0x38;
	[tilespmem:$0x1E000] =	vst v63  }
0x66: {  	p0 =	por p6, p6;
	s30 =	rddreg [dreg:$0x6];
	s29 =	sadd.s32 s4, s26  }
0x67: {  	[hbm4b:s29+s2] =	stream.linear.scatter [tilespmem:s17], [sflag:$0x2], $0x1C00, $0x38;
	[tilespmem:$0x1E000] =	vst v63  }
0x68: {  	s31 =	sadd.s32 s4, s28;
	s26 =	sadd.s32 s4, s30;
	s23 =	sadd.s32 $0x1C00, s4  }
0x69: {  	[hbm4b:s31+s2] =	stream.linear.scatter [tilespmem:s18], [sflag:$0x2], $0x1C00, $0x38;
	[tilespmem:$0x1E000] =	vst v63  }
.LBB2_2:
0x6a: {  	[hbm4b:s26+s2] =	stream.linear.scatter [tilespmem:s19], [sflag:$0x2], $0x1C00, $0x38;
	[tilespmem:$0x1E000] =	vst v63  }
0x6b: {  	s28 =	simm.s32 @!p0 $0x2  }
0x6c: {  	_ =	swait.ge @!p0 [sflag:s28], $0x1C00  }
0x6d: {  	[sflag:s28] =	ssyncset.done @!p0 $0x0  }
0x6e: {  	[sflag:s28] =	ssyncadd.s32 @!p0 $0xFFFFE400  }
0x6f: {  	_ =	swait.ge @!p0 [sflag:s28], $0x1C00  }
0x70: {  	[sflag:s28] =	ssyncset.done @!p0 $0x0  }
0x71: {  	[sflag:s28] =	ssyncadd.s32 @!p0 $0xFFFFE400  }
0x72: {  	_ =	swait.ge @!p0 [sflag:s28], $0x1C00  }
0x73: {  	[sflag:s28] =	ssyncset.done @!p0 $0x0  }
0x74: {  	[sflag:s28] =	ssyncadd.s32 @!p0 $0xFFFFE400  }
0x75: {  	_ =	swait.ge @!p0 [sflag:s28], $0x1C00  }
0x76: {  	s29 =	sshra.s32 s24, $0x2;
	[sflag:s28] =	ssyncset.done @!p0 $0x0  }
0x77: {  	s30 =	sadd.s32 $0x200, s29;
	[sflag:s28] =	ssyncadd.s32 @!p0 $0xFFFFE400  }
0x78: {  	[tilespmem:s16], [sflag:$0x1] =	stream.indirect.gather [hbm4b:s3+s8], $0x80, s30, s8, $0xb8;
	[tilespmem:$0x1E000] =	vst v63  }
0x79: {  	s31 =	sadd.s32 $0x280, s29  }
0x7a: {  	[tilespmem:s17], [sflag:$0x1] =	stream.indirect.gather [hbm4b:s3+s8], $0x80, s31, s8, $0xb8;
	[tilespmem:$0x1E000] =	vst v63  }
0x7b: {  	s0 =	sadd.s32 $0x300, s29  }
0x7c: {  	[tilespmem:s18], [sflag:$0x1] =	stream.indirect.gather [hbm4b:s3+s8], $0x80, s0, s8, $0xb8;
	[tilespmem:$0x1E000] =	vst v63  }
0x7d: {  	s30 =	sadd.s32 $0x380, s29  }
0x7e: {  	[tilespmem:s19], [sflag:$0x1] =	stream.indirect.gather [hbm4b:s3+s8], $0x80, s30, s8, $0xb8;
	[tilespmem:$0x1E000] =	vst v63  }
0x7f: {  	_ =	swait.ge [sflag:s20], $0x1900  }
0x80: {  	[sflag:s20] =	ssyncset.done $0x0  }
0x81: {  	[sflag:s20] =	ssyncadd.s32 $0xFFFFE700  }
0x82: {  	_ =	swait.ge [sflag:s20], $0x1900  }
0x83: {  	[sflag:s20] =	ssyncset.done $0x0  }
0x84: {  	[sflag:s20] =	ssyncadd.s32 $0xFFFFE700  }
0x85: {  	_ =	swait.ge [sflag:s20], $0x1900  }
0x86: {  	[sflag:s20] =	ssyncset.done $0x0  }
0x87: {  	[sflag:s20] =	ssyncadd.s32 $0xFFFFE700  }
0x88: {  	_ =	swait.ge [sflag:s20], $0x1900  }
0x89: {  	s31 =	rddreg [dreg:$0x5];
	[sflag:s20] =	ssyncset.done $0x0  }
0x8a: {  	[sflag:s20] =	ssyncadd.s32 $0xFFFFE700;
	s28 =	sadd.s32 s23, s31  }
0x8b: {  	[hbm4b:s28+s2] =	stream.linear.scatter [tilespmem:s9], [sflag:$0x2], $0x1C00, $0x38;
	[tilespmem:$0x1E000] =	vst v63  }
0x8c: {  	s0 =	rddreg [dreg:$0x4];
	s30 =	sadd.s32 $0x380, s28  }
0x8d: {  	[hbm4b:s30+s2] =	stream.linear.scatter [tilespmem:s11], [sflag:$0x2], $0x1C00, $0x38;
	[tilespmem:$0x1E000] =	vst v63  }
0x8e: {  	s31 =	rddreg [dreg:$0x3];
	s29 =	sadd.s32 s23, s0  }
0x8f: {  	[hbm4b:s29+s2] =	stream.linear.scatter [tilespmem:s13], [sflag:$0x2], $0x1C00, $0x38;
	[tilespmem:$0x1E000] =	vst v63  }
0x90: {  	s0 =	sadd.s32 s23, s31  }
0x91: {  	[hbm4b:s0+s2] =	stream.linear.scatter [tilespmem:s15], [sflag:$0x2], $0x1C00, $0x38;
	[tilespmem:$0x1E000] =	vst v63  }
0x92: {  	_ =	swait.ge [sflag:s21], $0x1C00  }
0x93: {  	[sflag:s21] =	ssyncset.done $0x0  }
0x94: {  	[sflag:s21] =	ssyncadd.s32 $0xFFFFE400  }
0x95: {  	_ =	swait.ge [sflag:s21], $0x1C00  }
0x96: {  	[sflag:s21] =	ssyncset.done $0x0  }
0x97: {  	[sflag:s21] =	ssyncadd.s32 $0xFFFFE400  }
0x98: {  	_ =	swait.ge [sflag:s21], $0x1C00  }
0x99: {  	s26 =	smov.u32 s25;
	[sflag:s21] =	ssyncset.done $0x0  }
0x9a: {  	p2 =	seq.s32 s26, $0x0;
	[sflag:s21] =	ssyncadd.s32 $0xFFFFE400  }
0x9b: {  	p0 =	por p2, p2;
	p2 =	seq.s32 s24, $0x3F000;
	_ =	swait.ge [sflag:s21], $0x1C00  }
0x9c: {  	s24 =	sshra.s32 @!p2 s24, $0x2;
	s31 =	simm.s32 @!p2 $0x32;
	[sflag:s21] =	ssyncset.done $0x0  }
0x9d: {  	s30 =	sadd.s32 @!p2 $0x400, s24;
	s29 =	simm.s32 @!p2 $0x10000;
	[sflag:s21] =	ssyncadd.s32 $0xFFFFE400  }
0x9e: {  	[tilespmem:s29], [sflag:$0x1] =	stream.indirect.gather @!p2 [hbm4b:s3+s31], $0x80, s30, s31, $0xb8;
	[tilespmem:$0x1E000] =	vst v63  }
0x9f: {  	s29 =	sadd.s32 @!p2 $0x480, s24;
	s30 =	simm.s32 @!p2 $0x11C00  }
0xa0: {  	[tilespmem:s30], [sflag:$0x1] =	stream.indirect.gather @!p2 [hbm4b:s3+s31], $0x80, s29, s31, $0xb8;
	[tilespmem:$0x1E000] =	vst v63  }
0xa1: {  	s0 =	sadd.s32 @!p2 $0x500, s24;
	s29 =	simm.s32 @!p2 $0x13800  }
0xa2: {  	[tilespmem:s29], [sflag:$0x1] =	stream.indirect.gather @!p2 [hbm4b:s3+s31], $0x80, s0, s31, $0xb8;
	[tilespmem:$0x1E000] =	vst v63  }
0xa3: {  	s30 =	sadd.s32 @!p2 $0x580, s24;
	s0 =	simm.s32 @!p2 $0x15400  }
0xa4: {  	[tilespmem:s0], [sflag:$0x1] =	stream.indirect.gather @!p2 [hbm4b:s3+s31], $0x80, s30, s31, $0xb8;
	[tilespmem:$0x1E000] =	vst v63  }
0xa5: {  	_ =	swait.ge [sflag:s20], $0x1900  }
0xa6: {  	[sflag:s20] =	ssyncset.done $0x0  }
0xa7: {  	[sflag:s20] =	ssyncadd.s32 $0xFFFFE700  }
0xa8: {  	_ =	swait.ge [sflag:s20], $0x1900  }
0xa9: {  	[sflag:s20] =	ssyncset.done $0x0  }
0xaa: {  	[sflag:s20] =	ssyncadd.s32 $0xFFFFE700  }
0xab: {  	_ =	swait.ge [sflag:s20], $0x1900  }
0xac: {  	[sflag:s20] =	ssyncset.done $0x0  }
0xad: {  	[sflag:s20] =	ssyncadd.s32 $0xFFFFE700  }
0xae: {  	s25 =	sadd.s32 $0x1000, s25;
	_ =	swait.ge [sflag:s20], $0x1900  }
0xaf: {  	p1 =	sne.s32 s25, $0x40000;
	[sflag:s20] =	ssyncset.done $0x0  }
0xb0: {  	s31 =	sadd.s32 $0xE00, s28;
	s30 =	rddreg [dreg:$0x8];
	[sflag:s20] =	ssyncadd.s32 $0xFFFFE700  }
0xb1: {  	[hbm4b:s31+s2] =	stream.linear.scatter [tilespmem:s16], [sflag:$0x2], $0x1C00, $0x38;
	[tilespmem:$0x1E000] =	vst v63  }
.Ltmp0:
0xb2: {  	s29 =	rddreg [dreg:$0x7];
	(pc) =	sbr.rel @p1 .LBB2_2-.Ltmp0, $4  }
0xb3: {  	s24 =	smov.u32 s26;
	s0 =	sadd.s32 s23, s30;
	s30 =	rddreg [dreg:$0x6]  }
0xb4: {  	[hbm4b:s0+s2] =	stream.linear.scatter [tilespmem:s17], [sflag:$0x2], $0x1C00, $0x38;
	[tilespmem:$0x1E000] =	vst v63  }
0xb5: {  	s31 =	sadd.s32 s23, s29;
	s26 =	sadd.s32 s23, s30;
	s23 =	sadd.s32 $0x1C00, s23  }
0xb6: {  	[hbm4b:s31+s2] =	stream.linear.scatter [tilespmem:s18], [sflag:$0x2], $0x1C00, $0x38;
	[tilespmem:$0x1E000] =	vst v63  }
0xb7: {  	[hbm4b:s26+s2] =	stream.linear.scatter [tilespmem:s19], [sflag:$0x2], $0x1C00, $0x38;
	[tilespmem:$0x1E000] =	vst v63  }
0xb8: {  	s0 =	simm.s32 @!p0 $0x2  }
0xb9: {  	_ =	swait.ge @!p0 [sflag:s0], $0x1C00  }
0xba: {  	[sflag:s0] =	ssyncset.done @!p0 $0x0  }
0xbb: {  	[sflag:s0] =	ssyncadd.s32 @!p0 $0xFFFFE400  }
0xbc: {  	_ =	swait.ge @!p0 [sflag:s0], $0x1C00  }
0xbd: {  	[sflag:s0] =	ssyncset.done @!p0 $0x0  }
0xbe: {  	[sflag:s0] =	ssyncadd.s32 @!p0 $0xFFFFE400  }
0xbf: {  	_ =	swait.ge @!p0 [sflag:s0], $0x1C00  }
0xc0: {  	[sflag:s0] =	ssyncset.done @!p0 $0x0  }
0xc1: {  	[sflag:s0] =	ssyncadd.s32 @!p0 $0xFFFFE400  }
0xc2: {  	_ =	swait.ge @!p0 [sflag:s0], $0x1C00  }
0xc3: {  	s25 =	sshra.s32 s24, $0x2;
	[sflag:s0] =	ssyncset.done @!p0 $0x0  }
0xc4: {  	s29 =	sadd.s32 $0x200, s25;
	[sflag:s0] =	ssyncadd.s32 @!p0 $0xFFFFE400  }
0xc5: {  	[tilespmem:s16], [sflag:$0x1] =	stream.indirect.gather [hbm4b:s3+s8], $0x80, s29, s8, $0xb8;
	[tilespmem:$0x1E000] =	vst v63  }
0xc6: {  	s30 =	sadd.s32 $0x280, s25  }
0xc7: {  	[tilespmem:s17], [sflag:$0x1] =	stream.indirect.gather [hbm4b:s3+s8], $0x80, s30, s8, $0xb8;
	[tilespmem:$0x1E000] =	vst v63  }
0xc8: {  	s31 =	sadd.s32 $0x300, s25  }
0xc9: {  	[tilespmem:s18], [sflag:$0x1] =	stream.indirect.gather [hbm4b:s3+s8], $0x80, s31, s8, $0xb8;
	[tilespmem:$0x1E000] =	vst v63  }
0xca: {  	s26 =	sadd.s32 $0x380, s25  }
0xcb: {  	[tilespmem:s19], [sflag:$0x1] =	stream.indirect.gather [hbm4b:s3+s8], $0x80, s26, s8, $0xb8;
	[tilespmem:$0x1E000] =	vst v63  }
0xcc: {  	_ =	swait.ge [sflag:s20], $0x1900  }
0xcd: {  	[sflag:s20] =	ssyncset.done $0x0  }
0xce: {  	[sflag:s20] =	ssyncadd.s32 $0xFFFFE700  }
0xcf: {  	_ =	swait.ge [sflag:s20], $0x1900  }
0xd0: {  	[sflag:s20] =	ssyncset.done $0x0  }
0xd1: {  	[sflag:s20] =	ssyncadd.s32 $0xFFFFE700  }
0xd2: {  	_ =	swait.ge [sflag:s20], $0x1900  }
0xd3: {  	[sflag:s20] =	ssyncset.done $0x0  }
0xd4: {  	[sflag:s20] =	ssyncadd.s32 $0xFFFFE700  }
0xd5: {  	_ =	swait.ge [sflag:s20], $0x1900  }
0xd6: {  	s28 =	rddreg [dreg:$0x5];
	[sflag:s20] =	ssyncset.done $0x0  }
0xd7: {  	[sflag:s20] =	ssyncadd.s32 $0xFFFFE700;
	s0 =	sadd.s32 s23, s28  }
0xd8: {  	[hbm4b:s0+s2] =	stream.linear.scatter [tilespmem:s9], [sflag:$0x2], $0x1C00, $0x38;
	[tilespmem:$0x1E000] =	vst v63  }
0xd9: {  	s29 =	rddreg [dreg:$0x4];
	s30 =	sadd.s32 $0x380, s0  }
0xda: {  	[hbm4b:s30+s2] =	stream.linear.scatter [tilespmem:s11], [sflag:$0x2], $0x1C00, $0x38;
	[tilespmem:$0x1E000] =	vst v63  }
0xdb: {  	s28 =	rddreg [dreg:$0x3];
	s25 =	sadd.s32 s23, s29  }
0xdc: {  	[hbm4b:s25+s2] =	stream.linear.scatter [tilespmem:s13], [sflag:$0x2], $0x1C00, $0x38;
	[tilespmem:$0x1E000] =	vst v63  }
0xdd: {  	s31 =	sadd.s32 s23, s28  }
0xde: {  	[hbm4b:s31+s2] =	stream.linear.scatter [tilespmem:s15], [sflag:$0x2], $0x1C00, $0x38;
	[tilespmem:$0x1E000] =	vst v63  }
0xdf: {  	_ =	swait.ge [sflag:s21], $0x1C00  }
0xe0: {  	[sflag:s21] =	ssyncset.done $0x0  }
0xe1: {  	[sflag:s21] =	ssyncadd.s32 $0xFFFFE400  }
0xe2: {  	_ =	swait.ge [sflag:s21], $0x1C00  }
0xe3: {  	[sflag:s21] =	ssyncset.done $0x0  }
0xe4: {  	[sflag:s21] =	ssyncadd.s32 $0xFFFFE400  }
0xe5: {  	_ =	swait.ge [sflag:s21], $0x1C00  }
0xe6: {  	[sflag:s21] =	ssyncset.done $0x0  }
0xe7: {  	p0 =	seq.s32 s24, $0x3F000;
	[sflag:s21] =	ssyncadd.s32 $0xFFFFE400  }
0xe8: {  	s24 =	sshra.s32 @!p0 s24, $0x2;
	_ =	swait.ge [sflag:s21], $0x1C00  }
0xe9: {  	s26 =	sadd.s32 @!p0 $0x400, s24;
	[sflag:s21] =	ssyncset.done $0x0  }
0xea: {  	s28 =	simm.s32 @!p0 $0x32;
	s25 =	simm.s32 @!p0 $0x10000;
	[sflag:s21] =	ssyncadd.s32 $0xFFFFE400  }
0xeb: {  	[tilespmem:s25], [sflag:$0x1] =	stream.indirect.gather @!p0 [hbm4b:s3+s28], $0x80, s26, s28, $0xb8;
	[tilespmem:$0x1E000] =	vst v63  }
0xec: {  	s25 =	sadd.s32 @!p0 $0x480, s24;
	s26 =	simm.s32 @!p0 $0x11C00  }
0xed: {  	[tilespmem:s26], [sflag:$0x1] =	stream.indirect.gather @!p0 [hbm4b:s3+s28], $0x80, s25, s28, $0xb8;
	[tilespmem:$0x1E000] =	vst v63  }
0xee: {  	s25 =	sadd.s32 @!p0 $0x500, s24;
	s26 =	simm.s32 @!p0 $0x13800  }
0xef: {  	[tilespmem:s26], [sflag:$0x1] =	stream.indirect.gather @!p0 [hbm4b:s3+s28], $0x80, s25, s28, $0xb8;
	[tilespmem:$0x1E000] =	vst v63  }
0xf0: {  	s24 =	sadd.s32 @!p0 $0x580, s24;
	s25 =	simm.s32 @!p0 $0x15400  }
0xf1: {  	[tilespmem:s25], [sflag:$0x1] =	stream.indirect.gather @!p0 [hbm4b:s3+s28], $0x80, s24, s28, $0xb8;
	[tilespmem:$0x1E000] =	vst v63  }
0xf2: {  	_ =	swait.ge [sflag:s20], $0x1900  }
0xf3: {  	[sflag:s20] =	ssyncset.done $0x0  }
0xf4: {  	[sflag:s20] =	ssyncadd.s32 $0xFFFFE700  }
0xf5: {  	_ =	swait.ge [sflag:s20], $0x1900  }
0xf6: {  	[sflag:s20] =	ssyncset.done $0x0  }
0xf7: {  	[sflag:s20] =	ssyncadd.s32 $0xFFFFE700  }
0xf8: {  	_ =	swait.ge [sflag:s20], $0x1900  }
0xf9: {  	[sflag:s20] =	ssyncset.done $0x0  }
0xfa: {  	[sflag:s20] =	ssyncadd.s32 $0xFFFFE700  }
0xfb: {  	_ =	swait.ge [sflag:s20], $0x1900  }
0xfc: {  	[sflag:s20] =	ssyncset.done $0x0  }
0xfd: {  	s0 =	sadd.s32 $0xE00, s0;
	s25 =	rddreg [dreg:$0x8];
	[sflag:s20] =	ssyncadd.s32 $0xFFFFE700  }
0xfe: {  	[hbm4b:s0+s2] =	stream.linear.scatter [tilespmem:s16], [sflag:$0x2], $0x1C00, $0x38;
	[tilespmem:$0x1E000] =	vst v63  }
0xff: {  	s26 =	rddreg [dreg:$0x7];
	s28 =	sadd.s32 s23, s25  }
0x100: {  	[hbm4b:s28+s2] =	stream.linear.scatter [tilespmem:s17], [sflag:$0x2], $0x1C00, $0x38;
	[tilespmem:$0x1E000] =	vst v63  }
0x101: {  	s29 =	rddreg [dreg:$0x6];
	s30 =	sadd.s32 s23, s26  }
0x102: {  	[hbm4b:s30+s2] =	stream.linear.scatter [tilespmem:s18], [sflag:$0x2], $0x1C00, $0x38;
	[tilespmem:$0x1E000] =	vst v63  }
0x103: {  	s31 =	sadd.s32 s23, s29  }
0x104: {  	[hbm4b:s31+s2] =	stream.linear.scatter [tilespmem:s19], [sflag:$0x2], $0x1C00, $0x38;
	[tilespmem:$0x1E000] =	vst v63  }
0x105: {  	_ =	swait.ge [sflag:s21], $0x1C00  }
0x106: {  	[sflag:s21] =	ssyncset.done $0x0  }
0x107: {  	[sflag:s21] =	ssyncadd.s32 $0xFFFFE400  }
0x108: {  	_ =	swait.ge [sflag:s21], $0x1C00  }
0x109: {  	[sflag:s21] =	ssyncset.done $0x0  }
0x10a: {  	s22 =	sadd.s32 $0x1, s22;
	[sflag:s21] =	ssyncadd.s32 $0xFFFFE400  }
0x10b: {  	p0 =	sne.s32 s22, s6;
	_ =	swait.ge [sflag:s21], $0x1C00  }
.Ltmp1:
0x10c: {  	[sflag:s21] =	ssyncset.done $0x0;
	(pc) =	sbr.rel @p0 .LBB2_1-.Ltmp1, $4  }
0x10d: {  	[sflag:s21] =	ssyncadd.s32 $0xFFFFE400  }
0x10e: {  	_ =	swait.ge [sflag:s21], $0x1C00  }
0x10f: {  	[sflag:s21] =	ssyncset.done $0x0  }
0x110: {  	[sflag:s21] =	ssyncadd.s32 $0xFFFFE400  }
0x111: {  	_ =	sfence.sel $0x180000  }
0x112: {  	[bflag:$0x0] =	sbarrier.arrive $0xFFFF  }
0x113: {  	_ =	strace $0x90000047  }
0x114: {  	[bflag:$0x2] =	sbarrier.arrive $0xFFFF  }
0x115: {  	p0 =	sne.s32 s1, $0x0;
	s0 =	rddreg [dreg:$0x2]  }
0x116: {  	s0 =	sadd.s32 @!p0 $0x100000, s0  }
0x117: {  	[sflag:s0] =	ssyncadd.tile.s32 @!p0 $0x1;
	_ =	shalt  }
.Lfunc_end2:
_tile_overlayer_lowered:
.L_overlay_start_2:
0x118: {  	(tag) =	ssettag $0x2  }
0x119: {  	s0 =	rddreg [dreg:$0x0];
	s2 =	stileid.u32  }
0x11a: {  	s1 =	rddreg [dreg:$0x1];
	p0 =	sne.s32 s2, $0x0  }
0x11b: {  	s3 =	rddreg [dreg:$0x2];
	[bflag:$0x3] =	sbarrier.arrive $0xFFFF;
	s2 =	simm.s32 @!p0 $0x1C03  }
0x11c: {  	[timem:s3], [sflag:s2] =	dma.local @!p0 [hbm:s0], s1  }
0x11d: {  	s0 =	simm.s32 @!p0 $0x3  }
0x11e: {  	_ =	swait.ge @!p0 [sflag:s0], s1  }
0x11f: {  	s1 =	ssub.s32 @!p0 $0x0, s1;
	[sflag:s0] =	ssyncset.done @!p0 $0x0  }
0x120: {  	[sflag:s0] =	ssyncadd.s32 @!p0 s1  }
0x121: {  	[bflag:$0x3] =	sbarrier.arrive $0xFFFF  }
0x122: {  	_ =	shalt  }

// kernel: sparse-core-data-format-call.cloned.1.call-start
scs
called_computation_lowered:
.L_overlay_start_0:
0x0: {  	s2 =	sld [smem:$0x3FD9]  }
0x1: {  	s3 =	sld [smem:$0x3FFE];
	_ =	sdelay $0x1  }
0x2: {  	s1 =	srdreg.scid  }
0x3: {  	s0 =	sand.u32 $0x1, s1  }
0x4: {  	s18 =	sshll.u32 s0, $0xA;
	s2 =	sadd.s32 s3, s2  }
0x5: {  	s2 =	sadd.s32 s2, s18  }
0x6: {  	[smem:$0x3FC6] =	sst s2  }
0x7: {  	_ = 	snop  }
0x8: {  	s2 =	sld [smem:$0x3FD0];
	(tm) =	ssettm $0x1  }
0x9: {  	s19 =	sld [smem:$0x3FFB];
	_ =	sdelay $0x3  }
0xa: {  	_ =	strace s19  }
0xb: {  	s3 =	sld [smem:$0x3FFC];
	_ =	sdelay $0x3  }
0xc: {  	_ =	strace s3  }
0xd: {  	s3 =	sld [smem:$0x3FFD];
	_ =	sdelay $0x3  }
0xe: {  	_ =	strace s3  }
0xf: {  	_ =	strace $0x8FFFFFFF  }
0x10: {  	s20 =	sld [smem:$0x3FDB];
	_ =	sdelay $0x1  }
0x11: {  	s4 =	simm.s32 $_scs_section_size  }
0x12: {  	s5 =	simm.s32 $_size__tile_overlayer_lowered;
	s6 =	simm.s32 $_tile_overlayer_lowered  }
0x13: {  	s23 =	simm.s32 $0x1BFF;
	s22 =	sshll.u32 s6, $0x1;
	s3 =	sadd.s32 s4, s20  }
0x14: {  	s7 =	simm.s32 $0x0;
	s21 =	sshll.u32 s5, $0x1;
	s5 =	sadd.s32 s22, s3  }
0x15: {  	[timem:s7], [sflag:s23] =	dma.local [hbm:s5], s21  }
0x16: {  	_ =	swait.ge [sflag:s23], s21  }
0x17: {  	s4 =	ssub.s32 $0x0, s21;
	[sflag:s23] =	ssyncset.done $0x0  }
0x18: {  	[sflag:s23] =	ssyncadd.s32 s4;
	_ =	sdelay $0x1  }
0x19: {  	s24 =	simm.s32 $0x1B8B  }
0x1a: {  	_ =	swait.ge [sflag:s24], $0x1  }
0x1b: {  	[sflag:s24] =	ssyncset.done $0x0  }
0x1c: {  	s26 =	simm.s32 $0x1B8E;
	s25 =	sld [smem:$0x3FFE];
	[sflag:s24] =	ssyncadd.s32 $0xFFFFFFFF  }
0x1d: {  	s27 =	simm.s32 $execute0_lowered;
	[smem:$0x3FD2] =	sst s26  }
0x1e: {  	s5 =	sshll.u32 s27, $0x1;
	_ =	strace $0x80000049;
	[dreg:$0x1] =	wrdreg $0xFFFFFFFF  }
0x1f: {  	s28 =	simm.s32 $_size_execute0_lowered;
	s3 =	sadd.s32 s3, s5;
	[dreg:$0x0] =	wrdreg $0x0  }
0x20: {  	s5 =	sshll.u32 s28, $0x1;
	[dreg:$0x2] =	wrdreg s3  }
0x21: {  	[dreg:$0x3] =	wrdreg s5  }
0x22: {  	[dreg:$0x4] =	wrdreg $0xC0  }
0x23: {  	_ =	task [dreg:s7], $0x5FFFF  }
0x24: {  	[dreg:$0x1] =	wrdreg $0xFFFFFFFF  }
0x25: {  	[dreg:$0x0] =	wrdreg $0x60  }
0x26: {  	[dreg:$0x2] =	wrdreg s25  }
0x27: {  	[dreg:$0x3] =	wrdreg s2  }
0x28: {  	[dreg:$0x4] =	wrdreg $0x9  }
0x29: {  	_ =	task.clear_ibuf [dreg:s7], $0x5FFFF;
	_ =	strace $0x90000049  }
0x2a: {  	s29 =	simm.s32 $0x9;
	_ =	strace $0x8000004B  }
0x2b: {  	_ =	swait.ge [sflag:s29], $0x1  }
0x2c: {  	[sflag:s29] =	ssyncadd.s32 $0xFFFFFFFF  }
0x2d: {  	_ =	strace $0x9000004B  }
0x2e: {  	_ =	sfence  }
0x2f: {  	s30 =	sld [smem:$0x0];
	_ =	sdelay $0x2  }
0x30: {  	s31 =	sshll.u32 s1, $0xD;
	s1 =	sshrl.u32 s1, $0x2  }
0x31: {  	s3 =	sand.u32 $0x4000, s31;
	s1 =	sadd.s32 s1, s30  }
0x32: {  	s0 =	sor.u32 s3, s0;
	s1 =	sshll.u32 s1, $0x11  }
0x33: {  	s0 =	sor.u32 s1, s0  }
0x34: {  	s0 =	sadd.s32 $0x8F2B, s0  }
0x35: {  	[sflag:s0] =	ssyncadd.remote.s32 $0x1  }
0x36: {  	_ =	sfence.sel $0xFFFF  }
0x37: {  	[dreg:$0x0] =	wrdreg $0xFFFFFFFF;
	(pc) =	sbr.abs _section_cstart, $3  }
0x38: {  	[dreg:$0x1] =	wrdreg $0xFFFFFFFF  }
0x39: {  	_ =	task.clear_ibuf [dreg:s7], $0x2FFFF;
	_ =	strace $0x9FFFFFFF  }
0x3a: {  	(tm) =	ssettm $0x7FFFFFFF  }
0x3b: {  	_ =	shalt  }
tec
execute0_lowered:
.L_overlay_start_1:
0x0: {  	(tag) =	ssettag $0x1  }
0x1: {  	s0 =	srdreg.scid  }
0x2: {  	s1 =	sshll.u32 s0, $0x4  }
0x3: {  	s0 =	stileid.u32;
	s1 =	sand.u32 $0x10, s1  }
0x4: {  	s1 =	sor.u32 s0, s1  }
0x5: {  	s6 =	rddreg [dreg:$0x0];
	s4 =	simm.s32 $0x1;
	s2 =	sshll.u32 s1, $0x7  }
0x6: {  	s7 =	simm.s32 $0x2;
	s12 =	simm.s32 $0x0;
	s1 =	ssub.s32 $0x4000, s2  }
0x7: {  	s8 =	simm.s32 $0x20000;
	s13 =	simm.s32 $0x0;
	s3 =	sand.u32 $0xF80, s1  }
0x8: {  	s9 =	simm.s32 $0x0;
	s5 =	sshrl.u32 s1, $0xC;
	p0 =	sne.s32 s3, $0x0  }
.Ltmp0:
0x9: {  	s1 =	rddreg [dreg:$0x2];
	s4 =	simm.s32 @!p0 $0x0;
	(pc) =	sbr.rel .LBB1_1-.Ltmp0, $4  }
0xa: {  	s11 =	simm.s32 $0x0;
	s3 =	rddreg [dreg:$0x1];
	s5 =	sadd.s32 s4, s5  }
0xb: {  	_ =	strace $0x8000004A;
	s4 =	simm.s32 $0x1;
	s5 =	smul.u32 $0x32, s5  }
0xc: {  	s6 =	sadd.s32 $0xA00, s6;
	s10 =	smov.u32 s2;
	[sflag:s4] =	ssyncpa.u1 $0x0  }
0xd: {  	p0 =	por $0x0, $0x0;
	[sflag:s7] =	ssyncpa.u1 $0x0;
	s7 =	sor.u32 $0x1, s5  }
.LBB1_4:
0xe: {  	s16 =	sshll.u32 s13, $0x3;
	s17 =	sand.u32 $0x78, s13  }
0xf: {  	s30 =	sand.u32 $0x1F800, s13;
	s12 =	sshll.u32 s12, $0x11;
	s16 =	sand.u32 $0x3C00, s16  }
0x10: {  	[tilespmem:s15+$0x810 ss:$0x81] =	vst.msk $0xffff, v2;
	s31 =	sand.u32 $0x7, s13;
	s16 =	sor.u32 s17, s16;
	s17 =	sadd.s32 s3, s30  }
0x11: {  	[tilespmem:s15+$0x1020 ss:$0x81] =	vst.msk $0xffff, v0;
	s13 =	sshll.u32 s31, $0x12;
	s12 =	sadd.s32 s12, s17;
	s16 =	sshrl.u32 s16, $0x3  }
0x12: {  	[tilespmem:s15+$0x0 ss:$0x81] =	vst.msk $0xffff, v1;
	s13 =	sor.u32 $0x400, s13;
	s12 =	sadd.s32 s16, s12  }
0x13: {  	[hbm4b:s12+s13] =	stream.strided.scatter [tilespmem:s14], [sflag:$0x2], $0x2000, s8, s13, $0x20;
	[tilespmem:$0x8080] =	vst v63  }
.LBB1_5:
0x14: {  	s14 =	sadd.s32 $0x1, s9  }
0x15: {  	s12 =	sadd.s32 $0x1000, s10;
	s16 =	smov.u32 s10;
	p2 =	sgt.s32 s14, $0x31  }
0x16: {  	s16 =	smov.u32 @p2 s12  }
0x17: {  	s14 =	simm.s32 @p2 $0x0;
	p2 =	sgt.s32 s16, $0x3FFF  }
0x18: {  	s16 =	smov.u32 @p2 s2;
	p2 =	sne.s32 s11, s7  }
.Ltmp1:
0x19: {  	p1 =	slt.u32 s11, $0x2;
	(pc) =	sbr.rel @!p2 .LBB1_6-.Ltmp1, $4  }
0x1a: {  	s15 =	simm.s32 @!p1 $0x2  }
0x1b: {  	s13 =	smov.u32 s10;
	p0 =	por !p0, !p0;
	_ =	swait.ge @!p1 [sflag:s15], $0x2000  }
0x1c: {  	s12 =	smov.u32 s9;
	[sflag:s15] =	ssyncset.done @!p1 $0x0;
	s9 =	smov.u32 s14  }
0x1d: {  	s11 =	sadd.s32 $0x1, s11;
	[sflag:s15] =	ssyncadd.s32 @!p1 $0xFFFFE000;
	s10 =	smov.u32 s16  }
.LBB1_1:
0x1e: {  	p1 =	sge.u32 s11, s5  }
0x1f: {  	s14 =	sand.u32 @!p1 $0x1FFFFFF, s9  }
0x20: {  	s15 =	smulhi.u32 @!p1 $0x4924925, s14;
	_ =	sdelay $0x1  }
0x21: {  	s15 =	smul.u32 @!p1 $0x38, s15  }
0x22: {  	s16 =	sxor.u32 @!p1 $0xFFFFFFFF, s11;
	s17 =	smul.u32 @!p1 $0x380, s10  }
0x23: {  	s31 =	sadd.s32 $0xFFFFFFFF, s11;
	s16 =	sshll.u32 @!p1 s16, $0xD;
	s14 =	ssub.s32 @!p1 s14, s15  }
0x24: {  	s15 =	sand.u32 @!p1 $0x2000, s16;
	s16 =	sadd.s32 @!p1 s6, s17;
	s14 =	sshll.u32 @!p1 s14, $0x4  }
0x25: {  	s17 =	simm.s32 @!p1 $0x1C00;
	s14 =	sadd.s32 @!p1 s14, s16;
	s16 =	simm.s32 @!p1 $0x40  }
0x26: {  	[tilespmem:s15], [sflag:$0x1] =	stream.strided.gather @!p1 [hbm4b:s14+s16], $0x2000, s17, s16, $0x38;
	[tilespmem:$0x8080] =	vst v63  }
0x27: {  	p1 =	sge.u32 s31, s5  }
.Ltmp2:
0x28: {  	_ = 	snop;
	(pc) =	sbr.rel @p1 .LBB1_5-.Ltmp2, $1  }
0x29: {  	_ =	sdelay $0x3  }
0x2a: {  	s14 =	simm.s32 $0x1  }
0x2b: {  	_ =	swait.ge [sflag:s4], $0x2000;
	s14 =	simm.s32 @!p0 $0x0  }
0x2c: {  	[sflag:s4] =	ssyncset.done $0x0;
	s15 =	sshll.u32 s14, $0xD  }
0x2d: {  	[sflag:s4] =	ssyncadd.s32 $0xFFFFE000;
	s18 =	sor.u32 $0x20, s15  }
0x2e: {  	s14 =	smul.u32 $0x8100, s14;
	v3 =	vld [tilespmem:s18+$0x10]  }
0x2f: {  	s30 =	sand.u32 $0x1, s11;
	v2 =	vld [tilespmem:s18+$0xFFFFFFF0]  }
0x30: {  	s15 =	smul.u32 $0x8100, s30;
	s14 =	sshrl.u32 s14, $0x2;
	v0 =	vld [tilespmem:s18+$0x0]  }
0x31: {  	v1 =	vld [tilespmem:s18+$0xFFFFFFE0];
	s16 =	sor.u32 $0x4000, s14  }
0x32: {  	s31 =	sshrl.u32 s15, $0x2;
	s15 =	sadd.s32 $0x0, s16  }
0x33: {  	s17 =	simm.s32 $0x4;
	s18 =	sadd.s32 $0x40, s18;
	s14 =	sor.u32 $0x4000, s31;
	[tilespmem:s15+$0x1830 ss:$0x81] =	vst.msk $0xffff, v3  }
.LBB1_3:
0x34: {  	v3 =	vld [tilespmem:s18+$0x10];
	p1 =	sne.s32 s17, $0x1FC;
	[tilespmem:s15+$0x810 ss:$0x81] =	vst.msk $0xffff, v2;
	s19 =	smov.u32 s17;
	s17 =	sadd.s32 $0x4, s17  }
.Ltmp3:
0x35: {  	v2 =	vld [tilespmem:s18+$0xFFFFFFF0];
	[tilespmem:s15+$0x1020 ss:$0x81] =	vst.msk $0xffff, v0;
	(pc) =	sbr.rel @p1 .LBB1_3-.Ltmp3, $4  }
0x36: {  	v0 =	vld [tilespmem:s18+$0x0];
	[tilespmem:s15+$0x0 ss:$0x81] =	vst.msk $0xffff, v1  }
0x37: {  	s15 =	sshra.s32 s19, $0x2;
	v1 =	vld [tilespmem:s18+$0xFFFFFFE0]  }
0x38: {  	s15 =	sadd.s32 s15, s16  }
0x39: {  	s18 =	sadd.s32 $0x40, s18;
	[tilespmem:s15+$0x1830 ss:$0x81] =	vst.msk $0xffff, v3  }
.Ltmp4:
0x3a: {  	_ = 	snop;
	(pc) =	sbr.rel .LBB1_4-.Ltmp4, $1  }
0x3b: {  	_ =	sdelay $0x3  }
.LBB1_6:
0x3c: {  	_ =	sfence.sel $0x180000  }
0x3d: {  	s2 =	simm.s32 $0x1;
	[bflag:$0x0] =	sbarrier.arrive $0xFFFF  }
0x3e: {  	s31 =	simm.s32 $0x2;
	[sflag:s2] =	ssyncpa.u1 $0x1  }
0x3f: {  	[sflag:s31] =	ssyncpa.u1 $0x1  }
0x40: {  	p0 =	sne.s32 s0, $0x0;
	_ =	strace $0x9000004A  }
0x41: {  	s0 =	sadd.s32 @!p0 $0x100000, s1;
	[bflag:$0x2] =	sbarrier.arrive $0xFFFF  }
0x42: {  	[sflag:s0] =	ssyncadd.tile.s32 @!p0 $0x1;
	_ =	shalt  }
.Lfunc_end1:
_tile_overlayer_lowered:
.L_overlay_start_2:
0x43: {  	(tag) =	ssettag $0x2  }
0x44: {  	s0 =	rddreg [dreg:$0x0];
	s2 =	stileid.u32  }
0x45: {  	s1 =	rddreg [dreg:$0x1];
	p0 =	sne.s32 s2, $0x0  }
0x46: {  	s3 =	rddreg [dreg:$0x2];
	[bflag:$0x3] =	sbarrier.arrive $0xFFFF;
	s2 =	simm.s32 @!p0 $0x1C01  }
0x47: {  	[timem:s3], [sflag:s2] =	dma.local @!p0 [hbm:s0], s1  }
0x48: {  	s0 =	simm.s32 @!p0 $0x1  }
0x49: {  	_ =	swait.ge @!p0 [sflag:s0], s1  }
0x4a: {  	s1 =	ssub.s32 @!p0 $0x0, s1;
	[sflag:s0] =	ssyncset.done @!p0 $0x0  }
0x4b: {  	[sflag:s0] =	ssyncadd.s32 @!p0 s1  }
0x4c: {  	[bflag:$0x3] =	sbarrier.arrive $0xFFFF  }
0x4d: {  	_ =	shalt  }

</sc_bundles>
